<compile_context>
chip_gen: v7x
topology: tpu7x:2x2x1
jax: 0.10.2.dev20260603
libtpu: 0.0.44.dev20260713+nightly
codegen_flags: <defaults>
</compile_context>

<pallas_src>
import functools

import jax
import jax.numpy as jnp
from jax import lax
from jax.experimental import pallas as pl
from jax.experimental.pallas import tpu as pltpu
from jax.experimental.pallas import tpu_sc as plsc

N = 10000
E = 320000
IN_DIM = 128
HID_DIM = 256
OUT_DIM = 64
NUM_REL = 8
NUM_BASES = 4

NCORES = 2
NTILES = 16
CHUNK = 128
NROWS = 10112
ROWS_PER_TILE = NROWS // NTILES
PAD_DST = 10100
E_PAD = 323584


def _make_sc_agg(d: int, n_table_rows: int, row_stride: int, edge_split: bool):
  per_tile = E_PAD // (NTILES * NCORES) if edge_split else E_PAD // NTILES
  n_chunks = per_tile // CHUNK
  mesh = plsc.VectorSubcoreMesh(core_axis_name="c", subcore_axis_name="s")

  @functools.partial(
      pl.kernel,
      out_type=jax.ShapeDtypeStruct((NCORES * NROWS, d), jnp.float32),
      mesh=mesh,
      scratch_types=[
          pltpu.VMEM((CHUNK,), jnp.int32),
          pltpu.VMEM((CHUNK,), jnp.int32),
          pltpu.VMEM((CHUNK,), jnp.int32),
          pltpu.VMEM((CHUNK,), jnp.int32),
          pltpu.VMEM((CHUNK, d), jnp.float32),
          pltpu.VMEM_SHARED((NROWS, d), jnp.float32),
          pltpu.SemaphoreType.DMA,
      ],
  )
  def sc_agg(table_h, src_h, typ_h, dst_h, zeros_h, out_h,
             srcv, typv, dstv, gidx, rows, accum, sem):
    cid = lax.axis_index("c")
    sid = lax.axis_index("s")
    r0 = sid * ROWS_PER_TILE
    pltpu.sync_copy(zeros_h.at[pl.ds(r0, ROWS_PER_TILE)],
                    accum.at[pl.ds(r0, ROWS_PER_TILE)])
    plsc.subcore_barrier()

    if edge_split:
      base = (sid * NCORES + cid) * per_tile
      idx_off = jnp.int32(0)
    else:
      base = sid * per_tile
      idx_off = cid * jnp.int32(NUM_REL * n_table_rows)

    def body(g, carry):
      off = base + g * CHUNK
      pltpu.sync_copy(src_h.at[pl.ds(off, CHUNK)], srcv)
      pltpu.sync_copy(typ_h.at[pl.ds(off, CHUNK)], typv)
      pltpu.sync_copy(dst_h.at[pl.ds(off, CHUNK)], dstv)
      for j in range(CHUNK // 16):
        sl = pl.ds(j * 16, 16)
        gidx[sl] = typv[sl] * jnp.int32(row_stride) + srcv[sl] + idx_off
      pltpu.async_copy(table_h.at[gidx], rows, sem).wait()
      pltpu.sync_copy(rows, accum.at[dstv], add=True)
      return carry

    lax.fori_loop(0, n_chunks, body, 0)
    plsc.subcore_barrier()
    pltpu.sync_copy(accum.at[pl.ds(r0, ROWS_PER_TILE)],
                    out_h.at[pl.ds(cid * NROWS + r0, ROWS_PER_TILE)])

  return sc_agg


_sc_agg_l1 = _make_sc_agg(IN_DIM, N, N, edge_split=False)
_sc_agg_l2 = _make_sc_agg(IN_DIM, NROWS, NROWS, edge_split=True)


NB1 = 1000
NB2 = 1264


def _l1_dense_body(x_ref, basis_ref, comp_ref, wself_ref, tbl_ref, self_ref):
  x = x_ref[...]
  xb = [jnp.dot(x, basis_ref[b], preferred_element_type=jnp.float32)
        for b in range(NUM_BASES)]
  for r in range(NUM_REL):
    tr = xb[0] * comp_ref[r, 0]
    for b in range(1, NUM_BASES):
      tr = tr + xb[b] * comp_ref[r, b]
    tbl_ref[0, r] = tr[:, :IN_DIM]
    tbl_ref[1, r] = tr[:, IN_DIM:]
  self_ref[...] = jnp.dot(x, wself_ref[...], preferred_element_type=jnp.float32)


def _l2_dense_body(agg_ref, self1_ref, basis_ref, comp_ref, wself_ref,
                   tbl_ref, self2_ref):
  h0 = jnp.maximum(agg_ref[0] + self1_ref[:, :IN_DIM], 0.0)
  h1 = jnp.maximum(agg_ref[1] + self1_ref[:, IN_DIM:], 0.0)
  h = jnp.concatenate([h0, h1], axis=1)
  hb = [jnp.dot(h, basis_ref[b], preferred_element_type=jnp.float32)
        for b in range(NUM_BASES)]
  for r in range(NUM_REL):
    tr = hb[0] * comp_ref[r, 0]
    for b in range(1, NUM_BASES):
      tr = tr + hb[b] * comp_ref[r, b]
    tbl_ref[r] = jnp.concatenate([tr, jnp.zeros_like(tr)], axis=1)
  self2_ref[...] = jnp.dot(h, wself_ref[...],
                           preferred_element_type=jnp.float32)


def _final_body(a0_ref, a1_ref, s_ref, o_ref):
  o_ref[...] = (a0_ref[...][:, :OUT_DIM] + a1_ref[...][:, :OUT_DIM]
                + s_ref[...])


def kernel(x, edge_index, edge_type, basis1, comp1, w_self1, eps1,
           basis2, comp2, w_self2, eps2):
  src = edge_index[0].astype(jnp.int32)
  dst = edge_index[1].astype(jnp.int32)
  typ = edge_type.astype(jnp.int32)
  npad = E_PAD - E
  src_p = jnp.concatenate([src, jnp.zeros((npad,), jnp.int32)])
  dst_p = jnp.concatenate([dst, jnp.full((npad,), PAD_DST, jnp.int32)])
  typ_p = jnp.concatenate([typ, jnp.zeros((npad,), jnp.int32)])
  zeros1 = jnp.zeros((NROWS, IN_DIM), jnp.float32)
  wself1_eff = (1.0 + eps1) * w_self1
  wself2_eff = (1.0 + eps2) * w_self2

  tbl1, self1 = pl.pallas_call(
      _l1_dense_body,
      grid=(N // NB1,),
      in_specs=[
          pl.BlockSpec((NB1, IN_DIM), lambda i: (i, 0)),
          pl.BlockSpec((NUM_BASES, IN_DIM, HID_DIM), lambda i: (0, 0, 0)),
          pl.BlockSpec(memory_space=pltpu.SMEM),
          pl.BlockSpec((IN_DIM, HID_DIM), lambda i: (0, 0)),
      ],
      out_specs=[
          pl.BlockSpec((2, NUM_REL, NB1, IN_DIM), lambda i: (0, 0, i, 0)),
          pl.BlockSpec((NB1, HID_DIM), lambda i: (i, 0)),
      ],
      out_shape=[
          jax.ShapeDtypeStruct((2, NUM_REL, N, IN_DIM), jnp.float32),
          jax.ShapeDtypeStruct((N, HID_DIM), jnp.float32),
      ],
  )(x, basis1, comp1, wself1_eff)

  agg1_flat = _sc_agg_l1(tbl1.reshape(2 * NUM_REL * N, IN_DIM),
                         src_p, typ_p, dst_p, zeros1)
  agg1 = agg1_flat.reshape(2, NROWS, IN_DIM)

  self1_pad = jnp.zeros((NROWS, HID_DIM), jnp.float32).at[:N].set(self1)
  tbl2, self2 = pl.pallas_call(
      _l2_dense_body,
      grid=(NROWS // NB2,),
      in_specs=[
          pl.BlockSpec((2, NB2, IN_DIM), lambda i: (0, i, 0)),
          pl.BlockSpec((NB2, HID_DIM), lambda i: (i, 0)),
          pl.BlockSpec((NUM_BASES, HID_DIM, OUT_DIM), lambda i: (0, 0, 0)),
          pl.BlockSpec(memory_space=pltpu.SMEM),
          pl.BlockSpec((HID_DIM, OUT_DIM), lambda i: (0, 0)),
      ],
      out_specs=[
          pl.BlockSpec((NUM_REL, NB2, IN_DIM), lambda i: (0, i, 0)),
          pl.BlockSpec((NB2, OUT_DIM), lambda i: (i, 0)),
      ],
      out_shape=[
          jax.ShapeDtypeStruct((NUM_REL, NROWS, IN_DIM), jnp.float32),
          jax.ShapeDtypeStruct((NROWS, OUT_DIM), jnp.float32),
      ],
  )(agg1, self1_pad, basis2, comp2, wself2_eff)

  agg2_flat = _sc_agg_l2(tbl2.reshape(NUM_REL * NROWS, IN_DIM),
                         src_p, typ_p, dst_p, zeros1)
  agg2 = agg2_flat.reshape(2, NROWS, IN_DIM)

  out_pad = pl.pallas_call(
      _final_body,
      grid=(NROWS // NB2,),
      in_specs=[
          pl.BlockSpec((NB2, IN_DIM), lambda i: (i, 0)),
          pl.BlockSpec((NB2, IN_DIM), lambda i: (i, 0)),
          pl.BlockSpec((NB2, OUT_DIM), lambda i: (i, 0)),
      ],
      out_specs=pl.BlockSpec((NB2, OUT_DIM), lambda i: (i, 0)),
      out_shape=jax.ShapeDtypeStruct((NROWS, OUT_DIM), jnp.float32),
  )(agg2[0], agg2[1], self2)
  return out_pad[:N]

# --- scband reference (transcript-rebuilt; emitter-appended) ---
"""Pipeline reference for scband-hgin-classifier-29609504539447 (READ-ONLY COPY).

The authoritative reference and input builder live on the scoring server;
editing this copy changes nothing except your own understanding.
"""

import jax, jax.numpy as jnp
import numpy as np

N = 10000
E = 320000
IN_DIM = 128
HID_DIM = 256
OUT_DIM = 64
NUM_REL = 8
NUM_BASES = 4


def setup_inputs(seed: int = 0) -> dict:
    key = jax.random.key(seed)
    ks = jax.random.split(key, 12)
    x = jax.random.normal(ks[0], (N, IN_DIM), dtype=jnp.float32)
    edge_index = jax.random.randint(ks[1], (2, E), 0, N, dtype=jnp.int64)
    edge_type = jax.random.randint(ks[2], (E,), 0, NUM_REL, dtype=jnp.int64)
    # layer 1 params (basis-decomposed relational weights + GIN self term)
    basis1 = jax.random.normal(ks[3], (NUM_BASES, IN_DIM, HID_DIM), dtype=jnp.float32) * 0.05
    comp1 = jax.random.normal(ks[4], (NUM_REL, NUM_BASES), dtype=jnp.float32) * 0.5
    w_self1 = jax.random.normal(ks[5], (IN_DIM, HID_DIM), dtype=jnp.float32) * 0.05
    eps1 = jnp.zeros((), dtype=jnp.float32)
    # layer 2 params
    basis2 = jax.random.normal(ks[6], (NUM_BASES, HID_DIM, OUT_DIM), dtype=jnp.float32) * 0.05
    comp2 = jax.random.normal(ks[7], (NUM_REL, NUM_BASES), dtype=jnp.float32) * 0.5
    w_self2 = jax.random.normal(ks[8], (HID_DIM, OUT_DIM), dtype=jnp.float32) * 0.05
    eps2 = jnp.zeros((), dtype=jnp.float32)
    return {
        "x": x, "edge_index": edge_index, "edge_type": edge_type,
        "basis1": basis1, "comp1": comp1, "w_self1": w_self1, "eps1": eps1,
        "basis2": basis2, "comp2": comp2, "w_self2": w_self2, "eps2": eps2,
    }


def _rgin_layer(x, edge_index, edge_type, basis, comp, w_self, eps):
    # relation weights from basis decomposition: W[r] = sum_b comp[r,b] * basis[b]
    W = jnp.einsum('rb,bio->rio', comp, basis)
    src = edge_index[0]
    dst = edge_index[1]
    # transform all nodes under every relation, then gather per-edge (FastRGCN-style)
    x_trans = jnp.einsum('ni,rio->rno', x, W)          # [R, N, out]
    msg = x_trans[edge_type, src]                       # [E, out] gather
    agg = jax.ops.segment_sum(msg, dst, num_segments=x.shape[0])  # scatter-add
    return agg + (1.0 + eps) * (x @ w_self)


def reference(x, edge_index, edge_type, basis1, comp1, w_self1, eps1,
              basis2, comp2, w_self2, eps2):
    h = _rgin_layer(x, edge_index, edge_type, basis1, comp1, w_self1, eps1)
    h = jax.nn.relu(h)
    out = _rgin_layer(h, edge_index, edge_type, basis2, comp2, w_self2, eps2)
    return out

if __name__ == "__main__":
    import jax
    _d = setup_inputs()
    print(jax.jit(kernel)(*tuple(_d.values())))

</pallas_src>

<mosaic_0001>
#map = affine_map<(d0, d1) -> (0, 0)>
#map1 = affine_map<(d0, d1) -> (0)>
module attributes {stable_mosaic.version = 14 : i64} {
  func.func @sc_agg(%arg0: i32, %arg1: i32, %arg2: memref<80896x128xf32, #tpu.memory_space<hbm>>, %arg3: memref<323584xi32, #tpu.memory_space<hbm>>, %arg4: memref<323584xi32, #tpu.memory_space<hbm>>, %arg5: memref<323584xi32, #tpu.memory_space<hbm>>, %arg6: memref<10112x128xf32, #tpu.memory_space<hbm>>, %arg7: memref<20224x128xf32, #tpu.memory_space<hbm>>, %arg8: memref<128xi32, #tpu.memory_space<vmem>>, %arg9: memref<128xi32, #tpu.memory_space<vmem>>, %arg10: memref<128xi32, #tpu.memory_space<vmem>>, %arg11: memref<128xi32, #tpu.memory_space<vmem>>, %arg12: memref<128x128xf32, #tpu.memory_space<vmem>>, %arg13: memref<10112x128xf32, #tpu.memory_space<vmem_shared>>, %arg14: memref<!tpu.dma_semaphore, #tpu.memory_space<semaphore_mem>>) attributes {dimension_semantics = [#tpu.dimension_semantics<core_parallel>, #tpu.dimension_semantics<subcore_parallel>], iteration_bounds = array<i64: 2, 16>, scalar_prefetch = 0 : i64, scratch_operands = 7 : i64, tpu.core_type = #tpu.core_type<sc_vector_subcore>, window_params = [{transform_indices = #map}, {transform_indices = #map1}, {transform_indices = #map1}, {transform_indices = #map1}, {transform_indices = #map}, {transform_indices = #map}]} {
    %mul3A = arith.constant 632 : i32
    %mul3A_0 = arith.muli %arg1, %mul3A : i32
    "tpu.region"() ({
      %run_scoped3A = tpu.sem_alloc : memref<!tpu.dma_semaphore, #tpu.memory_space<semaphore_mem>>
      %dma_start3A = arith.constant 0 : i32
      %dma_start3A_15 = tpu.memref_slice %arg13[%mul3A_0, %dma_start3A] : memref<10112x128xf32, #tpu.memory_space<vmem_shared>> -> memref<632x128xf32, #tpu.memory_space<vmem_shared>>
      %dma_start3A_16 = arith.constant 0 : i32
      %dma_start3A_17 = tpu.memref_slice %arg6[%mul3A_0, %dma_start3A_16] : memref<10112x128xf32, #tpu.memory_space<hbm>> -> memref<632x128xf32, #tpu.memory_space<hbm>>
      tpu.enqueue_dma source(%dma_start3A_17 : memref<632x128xf32, #tpu.memory_space<hbm>>) target(%dma_start3A_15 : memref<632x128xf32, #tpu.memory_space<vmem_shared>>) target_semaphore(%run_scoped3A : memref<!tpu.dma_semaphore, #tpu.memory_space<semaphore_mem>>)
      %dma_wait3A = arith.constant 0 : i32
      %dma_wait3A_18 = tpu.memref_slice %arg13[%mul3A_0, %dma_wait3A] : memref<10112x128xf32, #tpu.memory_space<vmem_shared>> -> memref<632x128xf32, #tpu.memory_space<vmem_shared>>
      %dma_wait3A_19 = arith.constant 0 : i32
      %dma_wait3A_20 = tpu.memref_slice %arg6[%mul3A_0, %dma_wait3A_19] : memref<10112x128xf32, #tpu.memory_space<hbm>> -> memref<632x128xf32, #tpu.memory_space<hbm>>
      tpu.wait_dma2 semaphore(%run_scoped3A : memref<!tpu.dma_semaphore, #tpu.memory_space<semaphore_mem>>) src(%dma_wait3A_20 : memref<632x128xf32, #tpu.memory_space<hbm>>) dst(%dma_wait3A_18 : memref<632x128xf32, #tpu.memory_space<vmem_shared>>)
      tpu.yield
    }) : () -> ()
    %barrier3A = arith.constant 0 : index
    tpu.barrier barrier_id(%barrier3A)
    %mul3A_1 = arith.constant 2 : i32
    %mul3A_2 = arith.muli %arg1, %mul3A_1 : i32
    %add3A = arith.addi %mul3A_2, %arg0 : i32
    %mul3A_3 = arith.constant 10112 : i32
    %mul3A_4 = arith.muli %add3A, %mul3A_3 : i32
    %scan3A = arith.constant 0 : i32
    %scan3A_5 = arith.constant 0 : i32
    %scan3A_6 = arith.constant 0 : i32
    %scan3A_7 = arith.constant 79 : i32
    %scan3A_8 = arith.addi %scan3A_6, %scan3A_7 : i32
    %scan3A_9 = arith.constant 1 : i32
    scf.for %scan3A_15 = %scan3A_6 to %scan3A_8 step %scan3A_9  : i32 {
      %mul3A_16 = arith.constant 128 : i32
      %mul3A_17 = arith.muli %scan3A_15, %mul3A_16 : i32
      %add3A_18 = arith.addi %mul3A_4, %mul3A_17 : i32
      "tpu.region"() ({
        %run_scoped3A = tpu.sem_alloc : memref<!tpu.dma_semaphore, #tpu.memory_space<semaphore_mem>>
        %dma_start3A_149 = tpu.memref_slice %arg3[%add3A_18] : memref<323584xi32, #tpu.memory_space<hbm>> -> memref<128xi32, #tpu.memory_space<hbm>>
        %dma_start3A_150 = tpu.memref_slice %arg3[%add3A_18] : memref<323584xi32, #tpu.memory_space<hbm>> -> memref<128xi32, #tpu.memory_space<hbm>>
        tpu.enqueue_dma source(%dma_start3A_150 : memref<128xi32, #tpu.memory_space<hbm>>) target(%arg8 : memref<128xi32, #tpu.memory_space<vmem>>) target_semaphore(%run_scoped3A : memref<!tpu.dma_semaphore, #tpu.memory_space<semaphore_mem>>)
        %dma_wait3A_151 = tpu.memref_slice %arg3[%add3A_18] : memref<323584xi32, #tpu.memory_space<hbm>> -> memref<128xi32, #tpu.memory_space<hbm>>
        %dma_wait3A_152 = tpu.memref_slice %arg3[%add3A_18] : memref<323584xi32, #tpu.memory_space<hbm>> -> memref<128xi32, #tpu.memory_space<hbm>>
        tpu.wait_dma2 semaphore(%run_scoped3A : memref<!tpu.dma_semaphore, #tpu.memory_space<semaphore_mem>>) src(%dma_wait3A_152 : memref<128xi32, #tpu.memory_space<hbm>>) dst(%arg8 : memref<128xi32, #tpu.memory_space<vmem>>)
        tpu.yield
      }) : () -> ()
      "tpu.region"() ({
        %run_scoped3A = tpu.sem_alloc : memref<!tpu.dma_semaphore, #tpu.memory_space<semaphore_mem>>
        %dma_start3A_149 = tpu.memref_slice %arg4[%add3A_18] : memref<323584xi32, #tpu.memory_space<hbm>> -> memref<128xi32, #tpu.memory_space<hbm>>
        %dma_start3A_150 = tpu.memref_slice %arg4[%add3A_18] : memref<323584xi32, #tpu.memory_space<hbm>> -> memref<128xi32, #tpu.memory_space<hbm>>
        tpu.enqueue_dma source(%dma_start3A_150 : memref<128xi32, #tpu.memory_space<hbm>>) target(%arg9 : memref<128xi32, #tpu.memory_space<vmem>>) target_semaphore(%run_scoped3A : memref<!tpu.dma_semaphore, #tpu.memory_space<semaphore_mem>>)
        %dma_wait3A_151 = tpu.memref_slice %arg4[%add3A_18] : memref<323584xi32, #tpu.memory_space<hbm>> -> memref<128xi32, #tpu.memory_space<hbm>>
        %dma_wait3A_152 = tpu.memref_slice %arg4[%add3A_18] : memref<323584xi32, #tpu.memory_space<hbm>> -> memref<128xi32, #tpu.memory_space<hbm>>
        tpu.wait_dma2 semaphore(%run_scoped3A : memref<!tpu.dma_semaphore, #tpu.memory_space<semaphore_mem>>) src(%dma_wait3A_152 : memref<128xi32, #tpu.memory_space<hbm>>) dst(%arg9 : memref<128xi32, #tpu.memory_space<vmem>>)
        tpu.yield
      }) : () -> ()
      "tpu.region"() ({
        %run_scoped3A = tpu.sem_alloc : memref<!tpu.dma_semaphore, #tpu.memory_space<semaphore_mem>>
        %dma_start3A_149 = tpu.memref_slice %arg5[%add3A_18] : memref<323584xi32, #tpu.memory_space<hbm>> -> memref<128xi32, #tpu.memory_space<hbm>>
        %dma_start3A_150 = tpu.memref_slice %arg5[%add3A_18] : memref<323584xi32, #tpu.memory_space<hbm>> -> memref<128xi32, #tpu.memory_space<hbm>>
        tpu.enqueue_dma source(%dma_start3A_150 : memref<128xi32, #tpu.memory_space<hbm>>) target(%arg10 : memref<128xi32, #tpu.memory_space<vmem>>) target_semaphore(%run_scoped3A : memref<!tpu.dma_semaphore, #tpu.memory_space<semaphore_mem>>)
        %dma_wait3A_151 = tpu.memref_slice %arg5[%add3A_18] : memref<323584xi32, #tpu.memory_space<hbm>> -> memref<128xi32, #tpu.memory_space<hbm>>
        %dma_wait3A_152 = tpu.memref_slice %arg5[%add3A_18] : memref<323584xi32, #tpu.memory_space<hbm>> -> memref<128xi32, #tpu.memory_space<hbm>>
        tpu.wait_dma2 semaphore(%run_scoped3A : memref<!tpu.dma_semaphore, #tpu.memory_space<semaphore_mem>>) src(%dma_wait3A_152 : memref<128xi32, #tpu.memory_space<hbm>>) dst(%arg10 : memref<128xi32, #tpu.memory_space<vmem>>)
        tpu.yield
      }) : () -> ()
      %get3A = arith.constant 0 : index
      %get3A_19 = tpu.vector_load %arg9[%get3A] {strides = array<i32>} : memref<128xi32, #tpu.memory_space<vmem>>, vector<16xi32>,
      %get3A_20 = vector.shape_cast %get3A_19 : vector<16xi32> to vector<16xi32>
      %mul3A_21 = arith.constant 10112 : i32
      %mul3A_22 = vector.broadcast %mul3A_21 : i32 to vector<16xi32>
      %mul3A_23 = arith.muli %get3A_20, %mul3A_22 : vector<16xi32>
      %get3A_24 = arith.constant 0 : index
      %get3A_25 = tpu.vector_load %arg8[%get3A_24] {strides = array<i32>} : memref<128xi32, #tpu.memory_space<vmem>>, vector<16xi32>,
      %get3A_26 = vector.shape_cast %get3A_25 : vector<16xi32> to vector<16xi32>
      %add3A_27 = arith.addi %mul3A_23, %get3A_26 : vector<16xi32>
      %add3A_28 = vector.broadcast %scan3A_5 : i32 to vector<16xi32>
      %add3A_29 = arith.addi %add3A_27, %add3A_28 : vector<16xi32>
      %swap3A = arith.constant 0 : index
      %swap3A_30 = tpu.vector_load %arg11[%swap3A] {strides = array<i32>} : memref<128xi32, #tpu.memory_space<vmem>>, vector<16xi32>,
      %swap3A_31 = vector.shape_cast %swap3A_30 : vector<16xi32> to vector<16xi32>
      %swap3A_32 = vector.shape_cast %add3A_29 : vector<16xi32> to vector<16xi32>
      tpu.vector_store %arg11[%swap3A], %swap3A_32 {strides = array<i32>} : memref<128xi32, #tpu.memory_space<vmem>>, vector<16xi32>,
      %get3A_33 = arith.constant 16 : index
      %get3A_34 = tpu.vector_load %arg9[%get3A_33] {strides = array<i32>} : memref<128xi32, #tpu.memory_space<vmem>>, vector<16xi32>,
      %get3A_35 = vector.shape_cast %get3A_34 : vector<16xi32> to vector<16xi32>
      %mul3A_36 = arith.constant 10112 : i32
      %mul3A_37 = vector.broadcast %mul3A_36 : i32 to vector<16xi32>
      %mul3A_38 = arith.muli %get3A_35, %mul3A_37 : vector<16xi32>
      %get3A_39 = arith.constant 16 : index
      %get3A_40 = tpu.vector_load %arg8[%get3A_39] {strides = array<i32>} : memref<128xi32, #tpu.memory_space<vmem>>, vector<16xi32>,
      %get3A_41 = vector.shape_cast %get3A_40 : vector<16xi32> to vector<16xi32>
      %add3A_42 = arith.addi %mul3A_38, %get3A_41 : vector<16xi32>
      %add3A_43 = vector.broadcast %scan3A_5 : i32 to vector<16xi32>
      %add3A_44 = arith.addi %add3A_42, %add3A_43 : vector<16xi32>
      %swap3A_45 = arith.constant 16 : index
      %swap3A_46 = tpu.vector_load %arg11[%swap3A_45] {strides = array<i32>} : memref<128xi32, #tpu.memory_space<vmem>>, vector<16xi32>,
      %swap3A_47 = vector.shape_cast %swap3A_46 : vector<16xi32> to vector<16xi32>
      %swap3A_48 = vector.shape_cast %add3A_44 : vector<16xi32> to vector<16xi32>
      tpu.vector_store %arg11[%swap3A_45], %swap3A_48 {strides = array<i32>} : memref<128xi32, #tpu.memory_space<vmem>>, vector<16xi32>,
      %get3A_49 = arith.constant 32 : index
      %get3A_50 = tpu.vector_load %arg9[%get3A_49] {strides = array<i32>} : memref<128xi32, #tpu.memory_space<vmem>>, vector<16xi32>,
      %get3A_51 = vector.shape_cast %get3A_50 : vector<16xi32> to vector<16xi32>
      %mul3A_52 = arith.constant 10112 : i32
      %mul3A_53 = vector.broadcast %mul3A_52 : i32 to vector<16xi32>
      %mul3A_54 = arith.muli %get3A_51, %mul3A_53 : vector<16xi32>
      %get3A_55 = arith.constant 32 : index
      %get3A_56 = tpu.vector_load %arg8[%get3A_55] {strides = array<i32>} : memref<128xi32, #tpu.memory_space<vmem>>, vector<16xi32>,
      %get3A_57 = vector.shape_cast %get3A_56 : vector<16xi32> to vector<16xi32>
      %add3A_58 = arith.addi %mul3A_54, %get3A_57 : vector<16xi32>
      %add3A_59 = vector.broadcast %scan3A_5 : i32 to vector<16xi32>
      %add3A_60 = arith.addi %add3A_58, %add3A_59 : vector<16xi32>
      %swap3A_61 = arith.constant 32 : index
      %swap3A_62 = tpu.vector_load %arg11[%swap3A_61] {strides = array<i32>} : memref<128xi32, #tpu.memory_space<vmem>>, vector<16xi32>,
      %swap3A_63 = vector.shape_cast %swap3A_62 : vector<16xi32> to vector<16xi32>
      %swap3A_64 = vector.shape_cast %add3A_60 : vector<16xi32> to vector<16xi32>
      tpu.vector_store %arg11[%swap3A_61], %swap3A_64 {strides = array<i32>} : memref<128xi32, #tpu.memory_space<vmem>>, vector<16xi32>,
      %get3A_65 = arith.constant 48 : index
      %get3A_66 = tpu.vector_load %arg9[%get3A_65] {strides = array<i32>} : memref<128xi32, #tpu.memory_space<vmem>>, vector<16xi32>,
      %get3A_67 = vector.shape_cast %get3A_66 : vector<16xi32> to vector<16xi32>
      %mul3A_68 = arith.constant 10112 : i32
      %mul3A_69 = vector.broadcast %mul3A_68 : i32 to vector<16xi32>
      %mul3A_70 = arith.muli %get3A_67, %mul3A_69 : vector<16xi32>
      %get3A_71 = arith.constant 48 : index
      %get3A_72 = tpu.vector_load %arg8[%get3A_71] {strides = array<i32>} : memref<128xi32, #tpu.memory_space<vmem>>, vector<16xi32>,
      %get3A_73 = vector.shape_cast %get3A_72 : vector<16xi32> to vector<16xi32>
      %add3A_74 = arith.addi %mul3A_70, %get3A_73 : vector<16xi32>
      %add3A_75 = vector.broadcast %scan3A_5 : i32 to vector<16xi32>
      %add3A_76 = arith.addi %add3A_74, %add3A_75 : vector<16xi32>
      %swap3A_77 = arith.constant 48 : index
      %swap3A_78 = tpu.vector_load %arg11[%swap3A_77] {strides = array<i32>} : memref<128xi32, #tpu.memory_space<vmem>>, vector<16xi32>,
      %swap3A_79 = vector.shape_cast %swap3A_78 : vector<16xi32> to vector<16xi32>
      %swap3A_80 = vector.shape_cast %add3A_76 : vector<16xi32> to vector<16xi32>
      tpu.vector_store %arg11[%swap3A_77], %swap3A_80 {strides = array<i32>} : memref<128xi32, #tpu.memory_space<vmem>>, vector<16xi32>,
      %get3A_81 = arith.constant 64 : index
      %get3A_82 = tpu.vector_load %arg9[%get3A_81] {strides = array<i32>} : memref<128xi32, #tpu.memory_space<vmem>>, vector<16xi32>,
      %get3A_83 = vector.shape_cast %get3A_82 : vector<16xi32> to vector<16xi32>
      %mul3A_84 = arith.constant 10112 : i32
      %mul3A_85 = vector.broadcast %mul3A_84 : i32 to vector<16xi32>
      %mul3A_86 = arith.muli %get3A_83, %mul3A_85 : vector<16xi32>
      %get3A_87 = arith.constant 64 : index
      %get3A_88 = tpu.vector_load %arg8[%get3A_87] {strides = array<i32>} : memref<128xi32, #tpu.memory_space<vmem>>, vector<16xi32>,
      %get3A_89 = vector.shape_cast %get3A_88 : vector<16xi32> to vector<16xi32>
      %add3A_90 = arith.addi %mul3A_86, %get3A_89 : vector<16xi32>
      %add3A_91 = vector.broadcast %scan3A_5 : i32 to vector<16xi32>
      %add3A_92 = arith.addi %add3A_90, %add3A_91 : vector<16xi32>
      %swap3A_93 = arith.constant 64 : index
      %swap3A_94 = tpu.vector_load %arg11[%swap3A_93] {strides = array<i32>} : memref<128xi32, #tpu.memory_space<vmem>>, vector<16xi32>,
      %swap3A_95 = vector.shape_cast %swap3A_94 : vector<16xi32> to vector<16xi32>
      %swap3A_96 = vector.shape_cast %add3A_92 : vector<16xi32> to vector<16xi32>
      tpu.vector_store %arg11[%swap3A_93], %swap3A_96 {strides = array<i32>} : memref<128xi32, #tpu.memory_space<vmem>>, vector<16xi32>,
      %get3A_97 = arith.constant 80 : index
      %get3A_98 = tpu.vector_load %arg9[%get3A_97] {strides = array<i32>} : memref<128xi32, #tpu.memory_space<vmem>>, vector<16xi32>,
      %get3A_99 = vector.shape_cast %get3A_98 : vector<16xi32> to vector<16xi32>
      %mul3A_100 = arith.constant 10112 : i32
      %mul3A_101 = vector.broadcast %mul3A_100 : i32 to vector<16xi32>
      %mul3A_102 = arith.muli %get3A_99, %mul3A_101 : vector<16xi32>
      %get3A_103 = arith.constant 80 : index
      %get3A_104 = tpu.vector_load %arg8[%get3A_103] {strides = array<i32>} : memref<128xi32, #tpu.memory_space<vmem>>, vector<16xi32>,
      %get3A_105 = vector.shape_cast %get3A_104 : vector<16xi32> to vector<16xi32>
      %add3A_106 = arith.addi %mul3A_102, %get3A_105 : vector<16xi32>
      %add3A_107 = vector.broadcast %scan3A_5 : i32 to vector<16xi32>
      %add3A_108 = arith.addi %add3A_106, %add3A_107 : vector<16xi32>
      %swap3A_109 = arith.constant 80 : index
      %swap3A_110 = tpu.vector_load %arg11[%swap3A_109] {strides = array<i32>} : memref<128xi32, #tpu.memory_space<vmem>>, vector<16xi32>,
      %swap3A_111 = vector.shape_cast %swap3A_110 : vector<16xi32> to vector<16xi32>
      %swap3A_112 = vector.shape_cast %add3A_108 : vector<16xi32> to vector<16xi32>
      tpu.vector_store %arg11[%swap3A_109], %swap3A_112 {strides = array<i32>} : memref<128xi32, #tpu.memory_space<vmem>>, vector<16xi32>,
      %get3A_113 = arith.constant 96 : index
      %get3A_114 = tpu.vector_load %arg9[%get3A_113] {strides = array<i32>} : memref<128xi32, #tpu.memory_space<vmem>>, vector<16xi32>,
      %get3A_115 = vector.shape_cast %get3A_114 : vector<16xi32> to vector<16xi32>
      %mul3A_116 = arith.constant 10112 : i32
      %mul3A_117 = vector.broadcast %mul3A_116 : i32 to vector<16xi32>
      %mul3A_118 = arith.muli %get3A_115, %mul3A_117 : vector<16xi32>
      %get3A_119 = arith.constant 96 : index
      %get3A_120 = tpu.vector_load %arg8[%get3A_119] {strides = array<i32>} : memref<128xi32, #tpu.memory_space<vmem>>, vector<16xi32>,
      %get3A_121 = vector.shape_cast %get3A_120 : vector<16xi32> to vector<16xi32>
      %add3A_122 = arith.addi %mul3A_118, %get3A_121 : vector<16xi32>
      %add3A_123 = vector.broadcast %scan3A_5 : i32 to vector<16xi32>
      %add3A_124 = arith.addi %add3A_122, %add3A_123 : vector<16xi32>
      %swap3A_125 = arith.constant 96 : index
      %swap3A_126 = tpu.vector_load %arg11[%swap3A_125] {strides = array<i32>} : memref<128xi32, #tpu.memory_space<vmem>>, vector<16xi32>,
      %swap3A_127 = vector.shape_cast %swap3A_126 : vector<16xi32> to vector<16xi32>
      %swap3A_128 = vector.shape_cast %add3A_124 : vector<16xi32> to vector<16xi32>
      tpu.vector_store %arg11[%swap3A_125], %swap3A_128 {strides = array<i32>} : memref<128xi32, #tpu.memory_space<vmem>>, vector<16xi32>,
      %get3A_129 = arith.constant 112 : index
      %get3A_130 = tpu.vector_load %arg9[%get3A_129] {strides = array<i32>} : memref<128xi32, #tpu.memory_space<vmem>>, vector<16xi32>,
      %get3A_131 = vector.shape_cast %get3A_130 : vector<16xi32> to vector<16xi32>
      %mul3A_132 = arith.constant 10112 : i32
      %mul3A_133 = vector.broadcast %mul3A_132 : i32 to vector<16xi32>
      %mul3A_134 = arith.muli %get3A_131, %mul3A_133 : vector<16xi32>
      %get3A_135 = arith.constant 112 : index
      %get3A_136 = tpu.vector_load %arg8[%get3A_135] {strides = array<i32>} : memref<128xi32, #tpu.memory_space<vmem>>, vector<16xi32>,
      %get3A_137 = vector.shape_cast %get3A_136 : vector<16xi32> to vector<16xi32>
      %add3A_138 = arith.addi %mul3A_134, %get3A_137 : vector<16xi32>
      %add3A_139 = vector.broadcast %scan3A_5 : i32 to vector<16xi32>
      %add3A_140 = arith.addi %add3A_138, %add3A_139 : vector<16xi32>
      %swap3A_141 = arith.constant 112 : index
      %swap3A_142 = tpu.vector_load %arg11[%swap3A_141] {strides = array<i32>} : memref<128xi32, #tpu.memory_space<vmem>>, vector<16xi32>,
      %swap3A_143 = vector.shape_cast %swap3A_142 : vector<16xi32> to vector<16xi32>
      %swap3A_144 = vector.shape_cast %add3A_140 : vector<16xi32> to vector<16xi32>
      tpu.vector_store %arg11[%swap3A_141], %swap3A_144 {strides = array<i32>} : memref<128xi32, #tpu.memory_space<vmem>>, vector<16xi32>,
      %dma_start3A = arith.constant 0 : i32
      %dma_start3A_145 = arith.constant 0 : i32
      %dma_start3A_146 = tpu.memref_slice %arg2[%dma_start3A, %dma_start3A_145] : memref<80896x128xf32, #tpu.memory_space<hbm>> -> memref<80896x128xf32, #tpu.memory_space<hbm>>
      tpu.enqueue_indirect_dma source(%dma_start3A_146 : memref<80896x128xf32, #tpu.memory_space<hbm>>) target(%arg12 : memref<128x128xf32, #tpu.memory_space<vmem>>) offsets(%arg11 : memref<128xi32, #tpu.memory_space<vmem>>) semaphore(%arg14 : memref<!tpu.dma_semaphore, #tpu.memory_space<semaphore_mem>>)
      %dma_wait3A = arith.constant 0 : i32
      %dma_wait3A_147 = arith.constant 0 : i32
      %dma_wait3A_148 = tpu.memref_slice %arg2[%dma_wait3A, %dma_wait3A_147] : memref<80896x128xf32, #tpu.memory_space<hbm>> -> memref<80896x128xf32, #tpu.memory_space<hbm>>
      tpu.wait_indirect_dma semaphore(%arg14 : memref<!tpu.dma_semaphore, #tpu.memory_space<semaphore_mem>>) src(%dma_wait3A_148 : memref<80896x128xf32, #tpu.memory_space<hbm>>) dst(%arg12 : memref<128x128xf32, #tpu.memory_space<vmem>>)
      "tpu.region"() ({
        %run_scoped3A = tpu.sem_alloc : memref<!tpu.dma_semaphore, #tpu.memory_space<semaphore_mem>>
        %dma_start3A_149 = arith.constant 0 : i32
        %dma_start3A_150 = arith.constant 0 : i32
        %dma_start3A_151 = tpu.memref_slice %arg13[%dma_start3A_149, %dma_start3A_150] : memref<10112x128xf32, #tpu.memory_space<vmem_shared>> -> memref<10112x128xf32, #tpu.memory_space<vmem_shared>>
        tpu.enqueue_indirect_dma source(%arg12 : memref<128x128xf32, #tpu.memory_space<vmem>>) target(%dma_start3A_151 : memref<10112x128xf32, #tpu.memory_space<vmem_shared>>) offsets(%arg10 : memref<128xi32, #tpu.memory_space<vmem>>) semaphore(%run_scoped3A : memref<!tpu.dma_semaphore, #tpu.memory_space<semaphore_mem>>) {add = true}
        %dma_wait3A_152 = arith.constant 0 : i32
        %dma_wait3A_153 = arith.constant 0 : i32
        %dma_wait3A_154 = tpu.memref_slice %arg13[%dma_wait3A_152, %dma_wait3A_153] : memref<10112x128xf32, #tpu.memory_space<vmem_shared>> -> memref<10112x128xf32, #tpu.memory_space<vmem_shared>>
        tpu.wait_indirect_dma semaphore(%run_scoped3A : memref<!tpu.dma_semaphore, #tpu.memory_space<semaphore_mem>>) src(%arg12 : memref<128x128xf32, #tpu.memory_space<vmem>>) dst(%dma_wait3A_154 : memref<10112x128xf32, #tpu.memory_space<vmem_shared>>)
        tpu.yield
      }) : () -> ()
    }
    %scan3A_10 = arith.constant 79 : i32
    %barrier3A_11 = arith.constant 0 : index
    tpu.barrier barrier_id(%barrier3A_11)
    %mul3A_12 = arith.constant 10112 : i32
    %mul3A_13 = arith.muli %arg0, %mul3A_12 : i32
    %add3A_14 = arith.addi %mul3A_13, %mul3A_0 : i32
    "tpu.region"() ({
      %run_scoped3A = tpu.sem_alloc : memref<!tpu.dma_semaphore, #tpu.memory_space<semaphore_mem>>
      %dma_start3A = arith.constant 0 : i32
      %dma_start3A_15 = tpu.memref_slice %arg7[%add3A_14, %dma_start3A] : memref<20224x128xf32, #tpu.memory_space<hbm>> -> memref<632x128xf32, #tpu.memory_space<hbm>>
      %dma_start3A_16 = arith.constant 0 : i32
      %dma_start3A_17 = tpu.memref_slice %arg13[%mul3A_0, %dma_start3A_16] : memref<10112x128xf32, #tpu.memory_space<vmem_shared>> -> memref<632x128xf32, #tpu.memory_space<vmem_shared>>
      tpu.enqueue_dma source(%dma_start3A_17 : memref<632x128xf32, #tpu.memory_space<vmem_shared>>) target(%dma_start3A_15 : memref<632x128xf32, #tpu.memory_space<hbm>>) target_semaphore(%run_scoped3A : memref<!tpu.dma_semaphore, #tpu.memory_space<semaphore_mem>>)
      %dma_wait3A = arith.constant 0 : i32
      %dma_wait3A_18 = tpu.memref_slice %arg7[%add3A_14, %dma_wait3A] : memref<20224x128xf32, #tpu.memory_space<hbm>> -> memref<632x128xf32, #tpu.memory_space<hbm>>
      %dma_wait3A_19 = arith.constant 0 : i32
      %dma_wait3A_20 = tpu.memref_slice %arg13[%mul3A_0, %dma_wait3A_19] : memref<10112x128xf32, #tpu.memory_space<vmem_shared>> -> memref<632x128xf32, #tpu.memory_space<vmem_shared>>
      tpu.wait_dma2 semaphore(%run_scoped3A : memref<!tpu.dma_semaphore, #tpu.memory_space<semaphore_mem>>) src(%dma_wait3A_20 : memref<632x128xf32, #tpu.memory_space<vmem_shared>>) dst(%dma_wait3A_18 : memref<632x128xf32, #tpu.memory_space<hbm>>)
      tpu.yield
    }) : () -> ()
    return
  }
}

#map = affine_map<(d0, d1) -> (0, 0)>
#map1 = affine_map<(d0, d1) -> (0)>
module attributes {stable_mosaic.version = 14 : i64} {
  func.func @sc_agg(%arg0: i32, %arg1: i32, %arg2: memref<160000x128xf32, #tpu.memory_space<hbm>>, %arg3: memref<323584xi32, #tpu.memory_space<hbm>>, %arg4: memref<323584xi32, #tpu.memory_space<hbm>>, %arg5: memref<323584xi32, #tpu.memory_space<hbm>>, %arg6: memref<10112x128xf32, #tpu.memory_space<hbm>>, %arg7: memref<20224x128xf32, #tpu.memory_space<hbm>>, %arg8: memref<128xi32, #tpu.memory_space<vmem>>, %arg9: memref<128xi32, #tpu.memory_space<vmem>>, %arg10: memref<128xi32, #tpu.memory_space<vmem>>, %arg11: memref<128xi32, #tpu.memory_space<vmem>>, %arg12: memref<128x128xf32, #tpu.memory_space<vmem>>, %arg13: memref<10112x128xf32, #tpu.memory_space<vmem_shared>>, %arg14: memref<!tpu.dma_semaphore, #tpu.memory_space<semaphore_mem>>) attributes {dimension_semantics = [#tpu.dimension_semantics<core_parallel>, #tpu.dimension_semantics<subcore_parallel>], iteration_bounds = array<i64: 2, 16>, scalar_prefetch = 0 : i64, scratch_operands = 7 : i64, tpu.core_type = #tpu.core_type<sc_vector_subcore>, window_params = [{transform_indices = #map}, {transform_indices = #map1}, {transform_indices = #map1}, {transform_indices = #map1}, {transform_indices = #map}, {transform_indices = #map}]} {
    %mul3A = arith.constant 632 : i32
    %mul3A_0 = arith.muli %arg1, %mul3A : i32
    "tpu.region"() ({
      %run_scoped3A = tpu.sem_alloc : memref<!tpu.dma_semaphore, #tpu.memory_space<semaphore_mem>>
      %dma_start3A = arith.constant 0 : i32
      %dma_start3A_13 = tpu.memref_slice %arg13[%mul3A_0, %dma_start3A] : memref<10112x128xf32, #tpu.memory_space<vmem_shared>> -> memref<632x128xf32, #tpu.memory_space<vmem_shared>>
      %dma_start3A_14 = arith.constant 0 : i32
      %dma_start3A_15 = tpu.memref_slice %arg6[%mul3A_0, %dma_start3A_14] : memref<10112x128xf32, #tpu.memory_space<hbm>> -> memref<632x128xf32, #tpu.memory_space<hbm>>
      tpu.enqueue_dma source(%dma_start3A_15 : memref<632x128xf32, #tpu.memory_space<hbm>>) target(%dma_start3A_13 : memref<632x128xf32, #tpu.memory_space<vmem_shared>>) target_semaphore(%run_scoped3A : memref<!tpu.dma_semaphore, #tpu.memory_space<semaphore_mem>>)
      %dma_wait3A = arith.constant 0 : i32
      %dma_wait3A_16 = tpu.memref_slice %arg13[%mul3A_0, %dma_wait3A] : memref<10112x128xf32, #tpu.memory_space<vmem_shared>> -> memref<632x128xf32, #tpu.memory_space<vmem_shared>>
      %dma_wait3A_17 = arith.constant 0 : i32
      %dma_wait3A_18 = tpu.memref_slice %arg6[%mul3A_0, %dma_wait3A_17] : memref<10112x128xf32, #tpu.memory_space<hbm>> -> memref<632x128xf32, #tpu.memory_space<hbm>>
      tpu.wait_dma2 semaphore(%run_scoped3A : memref<!tpu.dma_semaphore, #tpu.memory_space<semaphore_mem>>) src(%dma_wait3A_18 : memref<632x128xf32, #tpu.memory_space<hbm>>) dst(%dma_wait3A_16 : memref<632x128xf32, #tpu.memory_space<vmem_shared>>)
      tpu.yield
    }) : () -> ()
    %barrier3A = arith.constant 0 : index
    tpu.barrier barrier_id(%barrier3A)
    %mul3A_1 = arith.constant 20224 : i32
    %mul3A_2 = arith.muli %arg1, %mul3A_1 : i32
    %mul3A_3 = arith.constant 80000 : i32
    %mul3A_4 = arith.muli %arg0, %mul3A_3 : i32
    %scan3A = arith.constant 0 : i32
    %scan3A_5 = arith.constant 0 : i32
    %scan3A_6 = arith.constant 158 : i32
    %scan3A_7 = arith.addi %scan3A_5, %scan3A_6 : i32
    %scan3A_8 = arith.constant 1 : i32
    scf.for %scan3A_13 = %scan3A_5 to %scan3A_7 step %scan3A_8  : i32 {
      %mul3A_14 = arith.constant 128 : i32
      %mul3A_15 = arith.muli %scan3A_13, %mul3A_14 : i32
      %add3A_16 = arith.addi %mul3A_2, %mul3A_15 : i32
      "tpu.region"() ({
        %run_scoped3A = tpu.sem_alloc : memref<!tpu.dma_semaphore, #tpu.memory_space<semaphore_mem>>
        %dma_start3A_147 = tpu.memref_slice %arg3[%add3A_16] : memref<323584xi32, #tpu.memory_space<hbm>> -> memref<128xi32, #tpu.memory_space<hbm>>
        %dma_start3A_148 = tpu.memref_slice %arg3[%add3A_16] : memref<323584xi32, #tpu.memory_space<hbm>> -> memref<128xi32, #tpu.memory_space<hbm>>
        tpu.enqueue_dma source(%dma_start3A_148 : memref<128xi32, #tpu.memory_space<hbm>>) target(%arg8 : memref<128xi32, #tpu.memory_space<vmem>>) target_semaphore(%run_scoped3A : memref<!tpu.dma_semaphore, #tpu.memory_space<semaphore_mem>>)
        %dma_wait3A_149 = tpu.memref_slice %arg3[%add3A_16] : memref<323584xi32, #tpu.memory_space<hbm>> -> memref<128xi32, #tpu.memory_space<hbm>>
        %dma_wait3A_150 = tpu.memref_slice %arg3[%add3A_16] : memref<323584xi32, #tpu.memory_space<hbm>> -> memref<128xi32, #tpu.memory_space<hbm>>
        tpu.wait_dma2 semaphore(%run_scoped3A : memref<!tpu.dma_semaphore, #tpu.memory_space<semaphore_mem>>) src(%dma_wait3A_150 : memref<128xi32, #tpu.memory_space<hbm>>) dst(%arg8 : memref<128xi32, #tpu.memory_space<vmem>>)
        tpu.yield
      }) : () -> ()
      "tpu.region"() ({
        %run_scoped3A = tpu.sem_alloc : memref<!tpu.dma_semaphore, #tpu.memory_space<semaphore_mem>>
        %dma_start3A_147 = tpu.memref_slice %arg4[%add3A_16] : memref<323584xi32, #tpu.memory_space<hbm>> -> memref<128xi32, #tpu.memory_space<hbm>>
        %dma_start3A_148 = tpu.memref_slice %arg4[%add3A_16] : memref<323584xi32, #tpu.memory_space<hbm>> -> memref<128xi32, #tpu.memory_space<hbm>>
        tpu.enqueue_dma source(%dma_start3A_148 : memref<128xi32, #tpu.memory_space<hbm>>) target(%arg9 : memref<128xi32, #tpu.memory_space<vmem>>) target_semaphore(%run_scoped3A : memref<!tpu.dma_semaphore, #tpu.memory_space<semaphore_mem>>)
        %dma_wait3A_149 = tpu.memref_slice %arg4[%add3A_16] : memref<323584xi32, #tpu.memory_space<hbm>> -> memref<128xi32, #tpu.memory_space<hbm>>
        %dma_wait3A_150 = tpu.memref_slice %arg4[%add3A_16] : memref<323584xi32, #tpu.memory_space<hbm>> -> memref<128xi32, #tpu.memory_space<hbm>>
        tpu.wait_dma2 semaphore(%run_scoped3A : memref<!tpu.dma_semaphore, #tpu.memory_space<semaphore_mem>>) src(%dma_wait3A_150 : memref<128xi32, #tpu.memory_space<hbm>>) dst(%arg9 : memref<128xi32, #tpu.memory_space<vmem>>)
        tpu.yield
      }) : () -> ()
      "tpu.region"() ({
        %run_scoped3A = tpu.sem_alloc : memref<!tpu.dma_semaphore, #tpu.memory_space<semaphore_mem>>
        %dma_start3A_147 = tpu.memref_slice %arg5[%add3A_16] : memref<323584xi32, #tpu.memory_space<hbm>> -> memref<128xi32, #tpu.memory_space<hbm>>
        %dma_start3A_148 = tpu.memref_slice %arg5[%add3A_16] : memref<323584xi32, #tpu.memory_space<hbm>> -> memref<128xi32, #tpu.memory_space<hbm>>
        tpu.enqueue_dma source(%dma_start3A_148 : memref<128xi32, #tpu.memory_space<hbm>>) target(%arg10 : memref<128xi32, #tpu.memory_space<vmem>>) target_semaphore(%run_scoped3A : memref<!tpu.dma_semaphore, #tpu.memory_space<semaphore_mem>>)
        %dma_wait3A_149 = tpu.memref_slice %arg5[%add3A_16] : memref<323584xi32, #tpu.memory_space<hbm>> -> memref<128xi32, #tpu.memory_space<hbm>>
        %dma_wait3A_150 = tpu.memref_slice %arg5[%add3A_16] : memref<323584xi32, #tpu.memory_space<hbm>> -> memref<128xi32, #tpu.memory_space<hbm>>
        tpu.wait_dma2 semaphore(%run_scoped3A : memref<!tpu.dma_semaphore, #tpu.memory_space<semaphore_mem>>) src(%dma_wait3A_150 : memref<128xi32, #tpu.memory_space<hbm>>) dst(%arg10 : memref<128xi32, #tpu.memory_space<vmem>>)
        tpu.yield
      }) : () -> ()
      %get3A = arith.constant 0 : index
      %get3A_17 = tpu.vector_load %arg9[%get3A] {strides = array<i32>} : memref<128xi32, #tpu.memory_space<vmem>>, vector<16xi32>,
      %get3A_18 = vector.shape_cast %get3A_17 : vector<16xi32> to vector<16xi32>
      %mul3A_19 = arith.constant 10000 : i32
      %mul3A_20 = vector.broadcast %mul3A_19 : i32 to vector<16xi32>
      %mul3A_21 = arith.muli %get3A_18, %mul3A_20 : vector<16xi32>
      %get3A_22 = arith.constant 0 : index
      %get3A_23 = tpu.vector_load %arg8[%get3A_22] {strides = array<i32>} : memref<128xi32, #tpu.memory_space<vmem>>, vector<16xi32>,
      %get3A_24 = vector.shape_cast %get3A_23 : vector<16xi32> to vector<16xi32>
      %add3A_25 = arith.addi %mul3A_21, %get3A_24 : vector<16xi32>
      %add3A_26 = vector.broadcast %mul3A_4 : i32 to vector<16xi32>
      %add3A_27 = arith.addi %add3A_25, %add3A_26 : vector<16xi32>
      %swap3A = arith.constant 0 : index
      %swap3A_28 = tpu.vector_load %arg11[%swap3A] {strides = array<i32>} : memref<128xi32, #tpu.memory_space<vmem>>, vector<16xi32>,
      %swap3A_29 = vector.shape_cast %swap3A_28 : vector<16xi32> to vector<16xi32>
      %swap3A_30 = vector.shape_cast %add3A_27 : vector<16xi32> to vector<16xi32>
      tpu.vector_store %arg11[%swap3A], %swap3A_30 {strides = array<i32>} : memref<128xi32, #tpu.memory_space<vmem>>, vector<16xi32>,
      %get3A_31 = arith.constant 16 : index
      %get3A_32 = tpu.vector_load %arg9[%get3A_31] {strides = array<i32>} : memref<128xi32, #tpu.memory_space<vmem>>, vector<16xi32>,
      %get3A_33 = vector.shape_cast %get3A_32 : vector<16xi32> to vector<16xi32>
      %mul3A_34 = arith.constant 10000 : i32
      %mul3A_35 = vector.broadcast %mul3A_34 : i32 to vector<16xi32>
      %mul3A_36 = arith.muli %get3A_33, %mul3A_35 : vector<16xi32>
      %get3A_37 = arith.constant 16 : index
      %get3A_38 = tpu.vector_load %arg8[%get3A_37] {strides = array<i32>} : memref<128xi32, #tpu.memory_space<vmem>>, vector<16xi32>,
      %get3A_39 = vector.shape_cast %get3A_38 : vector<16xi32> to vector<16xi32>
      %add3A_40 = arith.addi %mul3A_36, %get3A_39 : vector<16xi32>
      %add3A_41 = vector.broadcast %mul3A_4 : i32 to vector<16xi32>
      %add3A_42 = arith.addi %add3A_40, %add3A_41 : vector<16xi32>
      %swap3A_43 = arith.constant 16 : index
      %swap3A_44 = tpu.vector_load %arg11[%swap3A_43] {strides = array<i32>} : memref<128xi32, #tpu.memory_space<vmem>>, vector<16xi32>,
      %swap3A_45 = vector.shape_cast %swap3A_44 : vector<16xi32> to vector<16xi32>
      %swap3A_46 = vector.shape_cast %add3A_42 : vector<16xi32> to vector<16xi32>
      tpu.vector_store %arg11[%swap3A_43], %swap3A_46 {strides = array<i32>} : memref<128xi32, #tpu.memory_space<vmem>>, vector<16xi32>,
      %get3A_47 = arith.constant 32 : index
      %get3A_48 = tpu.vector_load %arg9[%get3A_47] {strides = array<i32>} : memref<128xi32, #tpu.memory_space<vmem>>, vector<16xi32>,
      %get3A_49 = vector.shape_cast %get3A_48 : vector<16xi32> to vector<16xi32>
      %mul3A_50 = arith.constant 10000 : i32
      %mul3A_51 = vector.broadcast %mul3A_50 : i32 to vector<16xi32>
      %mul3A_52 = arith.muli %get3A_49, %mul3A_51 : vector<16xi32>
      %get3A_53 = arith.constant 32 : index
      %get3A_54 = tpu.vector_load %arg8[%get3A_53] {strides = array<i32>} : memref<128xi32, #tpu.memory_space<vmem>>, vector<16xi32>,
      %get3A_55 = vector.shape_cast %get3A_54 : vector<16xi32> to vector<16xi32>
      %add3A_56 = arith.addi %mul3A_52, %get3A_55 : vector<16xi32>
      %add3A_57 = vector.broadcast %mul3A_4 : i32 to vector<16xi32>
      %add3A_58 = arith.addi %add3A_56, %add3A_57 : vector<16xi32>
      %swap3A_59 = arith.constant 32 : index
      %swap3A_60 = tpu.vector_load %arg11[%swap3A_59] {strides = array<i32>} : memref<128xi32, #tpu.memory_space<vmem>>, vector<16xi32>,
      %swap3A_61 = vector.shape_cast %swap3A_60 : vector<16xi32> to vector<16xi32>
      %swap3A_62 = vector.shape_cast %add3A_58 : vector<16xi32> to vector<16xi32>
      tpu.vector_store %arg11[%swap3A_59], %swap3A_62 {strides = array<i32>} : memref<128xi32, #tpu.memory_space<vmem>>, vector<16xi32>,
      %get3A_63 = arith.constant 48 : index
      %get3A_64 = tpu.vector_load %arg9[%get3A_63] {strides = array<i32>} : memref<128xi32, #tpu.memory_space<vmem>>, vector<16xi32>,
      %get3A_65 = vector.shape_cast %get3A_64 : vector<16xi32> to vector<16xi32>
      %mul3A_66 = arith.constant 10000 : i32
      %mul3A_67 = vector.broadcast %mul3A_66 : i32 to vector<16xi32>
      %mul3A_68 = arith.muli %get3A_65, %mul3A_67 : vector<16xi32>
      %get3A_69 = arith.constant 48 : index
      %get3A_70 = tpu.vector_load %arg8[%get3A_69] {strides = array<i32>} : memref<128xi32, #tpu.memory_space<vmem>>, vector<16xi32>,
      %get3A_71 = vector.shape_cast %get3A_70 : vector<16xi32> to vector<16xi32>
      %add3A_72 = arith.addi %mul3A_68, %get3A_71 : vector<16xi32>
      %add3A_73 = vector.broadcast %mul3A_4 : i32 to vector<16xi32>
      %add3A_74 = arith.addi %add3A_72, %add3A_73 : vector<16xi32>
      %swap3A_75 = arith.constant 48 : index
      %swap3A_76 = tpu.vector_load %arg11[%swap3A_75] {strides = array<i32>} : memref<128xi32, #tpu.memory_space<vmem>>, vector<16xi32>,
      %swap3A_77 = vector.shape_cast %swap3A_76 : vector<16xi32> to vector<16xi32>
      %swap3A_78 = vector.shape_cast %add3A_74 : vector<16xi32> to vector<16xi32>
      tpu.vector_store %arg11[%swap3A_75], %swap3A_78 {strides = array<i32>} : memref<128xi32, #tpu.memory_space<vmem>>, vector<16xi32>,
      %get3A_79 = arith.constant 64 : index
      %get3A_80 = tpu.vector_load %arg9[%get3A_79] {strides = array<i32>} : memref<128xi32, #tpu.memory_space<vmem>>, vector<16xi32>,
      %get3A_81 = vector.shape_cast %get3A_80 : vector<16xi32> to vector<16xi32>
      %mul3A_82 = arith.constant 10000 : i32
      %mul3A_83 = vector.broadcast %mul3A_82 : i32 to vector<16xi32>
      %mul3A_84 = arith.muli %get3A_81, %mul3A_83 : vector<16xi32>
      %get3A_85 = arith.constant 64 : index
      %get3A_86 = tpu.vector_load %arg8[%get3A_85] {strides = array<i32>} : memref<128xi32, #tpu.memory_space<vmem>>, vector<16xi32>,
      %get3A_87 = vector.shape_cast %get3A_86 : vector<16xi32> to vector<16xi32>
      %add3A_88 = arith.addi %mul3A_84, %get3A_87 : vector<16xi32>
      %add3A_89 = vector.broadcast %mul3A_4 : i32 to vector<16xi32>
      %add3A_90 = arith.addi %add3A_88, %add3A_89 : vector<16xi32>
      %swap3A_91 = arith.constant 64 : index
      %swap3A_92 = tpu.vector_load %arg11[%swap3A_91] {strides = array<i32>} : memref<128xi32, #tpu.memory_space<vmem>>, vector<16xi32>,
      %swap3A_93 = vector.shape_cast %swap3A_92 : vector<16xi32> to vector<16xi32>
      %swap3A_94 = vector.shape_cast %add3A_90 : vector<16xi32> to vector<16xi32>
      tpu.vector_store %arg11[%swap3A_91], %swap3A_94 {strides = array<i32>} : memref<128xi32, #tpu.memory_space<vmem>>, vector<16xi32>,
      %get3A_95 = arith.constant 80 : index
      %get3A_96 = tpu.vector_load %arg9[%get3A_95] {strides = array<i32>} : memref<128xi32, #tpu.memory_space<vmem>>, vector<16xi32>,
      %get3A_97 = vector.shape_cast %get3A_96 : vector<16xi32> to vector<16xi32>
      %mul3A_98 = arith.constant 10000 : i32
      %mul3A_99 = vector.broadcast %mul3A_98 : i32 to vector<16xi32>
      %mul3A_100 = arith.muli %get3A_97, %mul3A_99 : vector<16xi32>
      %get3A_101 = arith.constant 80 : index
      %get3A_102 = tpu.vector_load %arg8[%get3A_101] {strides = array<i32>} : memref<128xi32, #tpu.memory_space<vmem>>, vector<16xi32>,
      %get3A_103 = vector.shape_cast %get3A_102 : vector<16xi32> to vector<16xi32>
      %add3A_104 = arith.addi %mul3A_100, %get3A_103 : vector<16xi32>
      %add3A_105 = vector.broadcast %mul3A_4 : i32 to vector<16xi32>
      %add3A_106 = arith.addi %add3A_104, %add3A_105 : vector<16xi32>
      %swap3A_107 = arith.constant 80 : index
      %swap3A_108 = tpu.vector_load %arg11[%swap3A_107] {strides = array<i32>} : memref<128xi32, #tpu.memory_space<vmem>>, vector<16xi32>,
      %swap3A_109 = vector.shape_cast %swap3A_108 : vector<16xi32> to vector<16xi32>
      %swap3A_110 = vector.shape_cast %add3A_106 : vector<16xi32> to vector<16xi32>
      tpu.vector_store %arg11[%swap3A_107], %swap3A_110 {strides = array<i32>} : memref<128xi32, #tpu.memory_space<vmem>>, vector<16xi32>,
      %get3A_111 = arith.constant 96 : index
      %get3A_112 = tpu.vector_load %arg9[%get3A_111] {strides = array<i32>} : memref<128xi32, #tpu.memory_space<vmem>>, vector<16xi32>,
      %get3A_113 = vector.shape_cast %get3A_112 : vector<16xi32> to vector<16xi32>
      %mul3A_114 = arith.constant 10000 : i32
      %mul3A_115 = vector.broadcast %mul3A_114 : i32 to vector<16xi32>
      %mul3A_116 = arith.muli %get3A_113, %mul3A_115 : vector<16xi32>
      %get3A_117 = arith.constant 96 : index
      %get3A_118 = tpu.vector_load %arg8[%get3A_117] {strides = array<i32>} : memref<128xi32, #tpu.memory_space<vmem>>, vector<16xi32>,
      %get3A_119 = vector.shape_cast %get3A_118 : vector<16xi32> to vector<16xi32>
      %add3A_120 = arith.addi %mul3A_116, %get3A_119 : vector<16xi32>
      %add3A_121 = vector.broadcast %mul3A_4 : i32 to vector<16xi32>
      %add3A_122 = arith.addi %add3A_120, %add3A_121 : vector<16xi32>
      %swap3A_123 = arith.constant 96 : index
      %swap3A_124 = tpu.vector_load %arg11[%swap3A_123] {strides = array<i32>} : memref<128xi32, #tpu.memory_space<vmem>>, vector<16xi32>,
      %swap3A_125 = vector.shape_cast %swap3A_124 : vector<16xi32> to vector<16xi32>
      %swap3A_126 = vector.shape_cast %add3A_122 : vector<16xi32> to vector<16xi32>
      tpu.vector_store %arg11[%swap3A_123], %swap3A_126 {strides = array<i32>} : memref<128xi32, #tpu.memory_space<vmem>>, vector<16xi32>,
      %get3A_127 = arith.constant 112 : index
      %get3A_128 = tpu.vector_load %arg9[%get3A_127] {strides = array<i32>} : memref<128xi32, #tpu.memory_space<vmem>>, vector<16xi32>,
      %get3A_129 = vector.shape_cast %get3A_128 : vector<16xi32> to vector<16xi32>
      %mul3A_130 = arith.constant 10000 : i32
      %mul3A_131 = vector.broadcast %mul3A_130 : i32 to vector<16xi32>
      %mul3A_132 = arith.muli %get3A_129, %mul3A_131 : vector<16xi32>
      %get3A_133 = arith.constant 112 : index
      %get3A_134 = tpu.vector_load %arg8[%get3A_133] {strides = array<i32>} : memref<128xi32, #tpu.memory_space<vmem>>, vector<16xi32>,
      %get3A_135 = vector.shape_cast %get3A_134 : vector<16xi32> to vector<16xi32>
      %add3A_136 = arith.addi %mul3A_132, %get3A_135 : vector<16xi32>
      %add3A_137 = vector.broadcast %mul3A_4 : i32 to vector<16xi32>
      %add3A_138 = arith.addi %add3A_136, %add3A_137 : vector<16xi32>
      %swap3A_139 = arith.constant 112 : index
      %swap3A_140 = tpu.vector_load %arg11[%swap3A_139] {strides = array<i32>} : memref<128xi32, #tpu.memory_space<vmem>>, vector<16xi32>,
      %swap3A_141 = vector.shape_cast %swap3A_140 : vector<16xi32> to vector<16xi32>
      %swap3A_142 = vector.shape_cast %add3A_138 : vector<16xi32> to vector<16xi32>
      tpu.vector_store %arg11[%swap3A_139], %swap3A_142 {strides = array<i32>} : memref<128xi32, #tpu.memory_space<vmem>>, vector<16xi32>,
      %dma_start3A = arith.constant 0 : i32
      %dma_start3A_143 = arith.constant 0 : i32
      %dma_start3A_144 = tpu.memref_slice %arg2[%dma_start3A, %dma_start3A_143] : memref<160000x128xf32, #tpu.memory_space<hbm>> -> memref<160000x128xf32, #tpu.memory_space<hbm>>
      tpu.enqueue_indirect_dma source(%dma_start3A_144 : memref<160000x128xf32, #tpu.memory_space<hbm>>) target(%arg12 : memref<128x128xf32, #tpu.memory_space<vmem>>) offsets(%arg11 : memref<128xi32, #tpu.memory_space<vmem>>) semaphore(%arg14 : memref<!tpu.dma_semaphore, #tpu.memory_space<semaphore_mem>>)
      %dma_wait3A = arith.constant 0 : i32
      %dma_wait3A_145 = arith.constant 0 : i32
      %dma_wait3A_146 = tpu.memref_slice %arg2[%dma_wait3A, %dma_wait3A_145] : memref<160000x128xf32, #tpu.memory_space<hbm>> -> memref<160000x128xf32, #tpu.memory_space<hbm>>
      tpu.wait_indirect_dma semaphore(%arg14 : memref<!tpu.dma_semaphore, #tpu.memory_space<semaphore_mem>>) src(%dma_wait3A_146 : memref<160000x128xf32, #tpu.memory_space<hbm>>) dst(%arg12 : memref<128x128xf32, #tpu.memory_space<vmem>>)
      "tpu.region"() ({
        %run_scoped3A = tpu.sem_alloc : memref<!tpu.dma_semaphore, #tpu.memory_space<semaphore_mem>>
        %dma_start3A_147 = arith.constant 0 : i32
        %dma_start3A_148 = arith.constant 0 : i32
        %dma_start3A_149 = tpu.memref_slice %arg13[%dma_start3A_147, %dma_start3A_148] : memref<10112x128xf32, #tpu.memory_space<vmem_shared>> -> memref<10112x128xf32, #tpu.memory_space<vmem_shared>>
        tpu.enqueue_indirect_dma source(%arg12 : memref<128x128xf32, #tpu.memory_space<vmem>>) target(%dma_start3A_149 : memref<10112x128xf32, #tpu.memory_space<vmem_shared>>) offsets(%arg10 : memref<128xi32, #tpu.memory_space<vmem>>) semaphore(%run_scoped3A : memref<!tpu.dma_semaphore, #tpu.memory_space<semaphore_mem>>) {add = true}
        %dma_wait3A_150 = arith.constant 0 : i32
        %dma_wait3A_151 = arith.constant 0 : i32
        %dma_wait3A_152 = tpu.memref_slice %arg13[%dma_wait3A_150, %dma_wait3A_151] : memref<10112x128xf32, #tpu.memory_space<vmem_shared>> -> memref<10112x128xf32, #tpu.memory_space<vmem_shared>>
        tpu.wait_indirect_dma semaphore(%run_scoped3A : memref<!tpu.dma_semaphore, #tpu.memory_space<semaphore_mem>>) src(%arg12 : memref<128x128xf32, #tpu.memory_space<vmem>>) dst(%dma_wait3A_152 : memref<10112x128xf32, #tpu.memory_space<vmem_shared>>)
        tpu.yield
      }) : () -> ()
    }
    %scan3A_9 = arith.constant 158 : i32
    %barrier3A_10 = arith.constant 0 : index
    tpu.barrier barrier_id(%barrier3A_10)
    %mul3A_11 = arith.constant 10112 : i32
    %mul3A_12 = arith.muli %arg0, %mul3A_11 : i32
    %add3A = arith.addi %mul3A_12, %mul3A_0 : i32
    "tpu.region"() ({
      %run_scoped3A = tpu.sem_alloc : memref<!tpu.dma_semaphore, #tpu.memory_space<semaphore_mem>>
      %dma_start3A = arith.constant 0 : i32
      %dma_start3A_13 = tpu.memref_slice %arg7[%add3A, %dma_start3A] : memref<20224x128xf32, #tpu.memory_space<hbm>> -> memref<632x128xf32, #tpu.memory_space<hbm>>
      %dma_start3A_14 = arith.constant 0 : i32
      %dma_start3A_15 = tpu.memref_slice %arg13[%mul3A_0, %dma_start3A_14] : memref<10112x128xf32, #tpu.memory_space<vmem_shared>> -> memref<632x128xf32, #tpu.memory_space<vmem_shared>>
      tpu.enqueue_dma source(%dma_start3A_15 : memref<632x128xf32, #tpu.memory_space<vmem_shared>>) target(%dma_start3A_13 : memref<632x128xf32, #tpu.memory_space<hbm>>) target_semaphore(%run_scoped3A : memref<!tpu.dma_semaphore, #tpu.memory_space<semaphore_mem>>)
      %dma_wait3A = arith.constant 0 : i32
      %dma_wait3A_16 = tpu.memref_slice %arg7[%add3A, %dma_wait3A] : memref<20224x128xf32, #tpu.memory_space<hbm>> -> memref<632x128xf32, #tpu.memory_space<hbm>>
      %dma_wait3A_17 = arith.constant 0 : i32
      %dma_wait3A_18 = tpu.memref_slice %arg13[%mul3A_0, %dma_wait3A_17] : memref<10112x128xf32, #tpu.memory_space<vmem_shared>> -> memref<632x128xf32, #tpu.memory_space<vmem_shared>>
      tpu.wait_dma2 semaphore(%run_scoped3A : memref<!tpu.dma_semaphore, #tpu.memory_space<semaphore_mem>>) src(%dma_wait3A_18 : memref<632x128xf32, #tpu.memory_space<vmem_shared>>) dst(%dma_wait3A_16 : memref<632x128xf32, #tpu.memory_space<hbm>>)
      tpu.yield
    }) : () -> ()
    return
  }
}

module attributes {stable_mosaic.version = 14 : i64} {
  func.func @_l1_dense_body(%arg0: i32, %arg1: memref<1000x128xf32, #tpu.memory_space<vmem>>, %arg2: memref<4x128x256xf32, #tpu.memory_space<vmem>>, %arg3: memref<8x4xf32, #tpu.memory_space<smem>>, %arg4: memref<128x256xf32, #tpu.memory_space<vmem>>, %arg5: memref<2x8x1000x128xf32, #tpu.memory_space<vmem>>, %arg6: memref<1000x256xf32, #tpu.memory_space<vmem>>) attributes {dimension_semantics = [#tpu.dimension_semantics<arbitrary>], iteration_bounds = array<i64: 10>, scalar_prefetch = 0 : i64, scratch_operands = 0 : i64, tpu.core_type = #tpu.core_type<tc>, window_params = [{transform_indices = @transform_0, window_bounds = array<i64: 1000, 128>}, {pipeline_mode = #tpu.pipeline_mode<synchronous>, transform_indices = @transform_1, window_bounds = array<i64: 4, 128, 256>}, {transform_indices = @transform_2, window_bounds = array<i64: 8, 4>}, {pipeline_mode = #tpu.pipeline_mode<synchronous>, transform_indices = @transform_3, window_bounds = array<i64: 128, 256>}, {transform_indices = @transform_4, window_bounds = array<i64: 2, 8, 1000, 128>}, {transform_indices = @transform_5, window_bounds = array<i64: 1000, 256>}]} {
    %get3A = arith.constant 0 : index
    %get3A_0 = arith.constant 0 : index
    %get3A_1 = vector.load %arg1[%get3A, %get3A_0] : memref<1000x128xf32, #tpu.memory_space<vmem>>, vector<1000x128xf32>
    %get3A_2 = arith.constant 0 : index
    %get3A_3 = arith.constant 0 : index
    %get3A_4 = arith.constant 0 : index
    %get3A_5 = vector.load %arg2[%get3A_2, %get3A_3, %get3A_4] : memref<4x128x256xf32, #tpu.memory_space<vmem>>, vector<1x128x256xf32>
    %get3A_6 = vector.shape_cast %get3A_5 : vector<1x128x256xf32> to vector<128x256xf32>
    %dot_general3A = arith.constant dense<0.000000e+00> : vector<1000x256xf32>
    %dot_general3A_7 = tpu.matmul %get3A_1, %get3A_6, %dot_general3A {dimension_numbers = #tpu.dot_dimension_numbers<[1], [0], [0], [1], [0, 0, 1, 1], [], []>, transpose_lhs_hint = false} : vector<1000x128xf32>, vector<128x256xf32>, vector<1000x256xf32> -> vector<1000x256xf32>
    %get3A_8 = arith.constant 1 : index
    %get3A_9 = arith.constant 0 : index
    %get3A_10 = arith.constant 0 : index
    %get3A_11 = vector.load %arg2[%get3A_8, %get3A_9, %get3A_10] : memref<4x128x256xf32, #tpu.memory_space<vmem>>, vector<1x128x256xf32>
    %get3A_12 = vector.shape_cast %get3A_11 : vector<1x128x256xf32> to vector<128x256xf32>
    %dot_general3A_13 = arith.constant dense<0.000000e+00> : vector<1000x256xf32>
    %dot_general3A_14 = tpu.matmul %get3A_1, %get3A_12, %dot_general3A_13 {dimension_numbers = #tpu.dot_dimension_numbers<[1], [0], [0], [1], [0, 0, 1, 1], [], []>, transpose_lhs_hint = false} : vector<1000x128xf32>, vector<128x256xf32>, vector<1000x256xf32> -> vector<1000x256xf32>
    %get3A_15 = arith.constant 2 : index
    %get3A_16 = arith.constant 0 : index
    %get3A_17 = arith.constant 0 : index
    %get3A_18 = vector.load %arg2[%get3A_15, %get3A_16, %get3A_17] : memref<4x128x256xf32, #tpu.memory_space<vmem>>, vector<1x128x256xf32>
    %get3A_19 = vector.shape_cast %get3A_18 : vector<1x128x256xf32> to vector<128x256xf32>
    %dot_general3A_20 = arith.constant dense<0.000000e+00> : vector<1000x256xf32>
    %dot_general3A_21 = tpu.matmul %get3A_1, %get3A_19, %dot_general3A_20 {dimension_numbers = #tpu.dot_dimension_numbers<[1], [0], [0], [1], [0, 0, 1, 1], [], []>, transpose_lhs_hint = false} : vector<1000x128xf32>, vector<128x256xf32>, vector<1000x256xf32> -> vector<1000x256xf32>
    %get3A_22 = arith.constant 3 : index
    %get3A_23 = arith.constant 0 : index
    %get3A_24 = arith.constant 0 : index
    %get3A_25 = vector.load %arg2[%get3A_22, %get3A_23, %get3A_24] : memref<4x128x256xf32, #tpu.memory_space<vmem>>, vector<1x128x256xf32>
    %get3A_26 = vector.shape_cast %get3A_25 : vector<1x128x256xf32> to vector<128x256xf32>
    %dot_general3A_27 = arith.constant dense<0.000000e+00> : vector<1000x256xf32>
    %dot_general3A_28 = tpu.matmul %get3A_1, %get3A_26, %dot_general3A_27 {dimension_numbers = #tpu.dot_dimension_numbers<[1], [0], [0], [1], [0, 0, 1, 1], [], []>, transpose_lhs_hint = false} : vector<1000x128xf32>, vector<128x256xf32>, vector<1000x256xf32> -> vector<1000x256xf32>
    %get3A_29 = arith.constant 0 : index
    %get3A_30 = arith.constant 0 : index
    %get3A_31 = memref.load %arg3[%get3A_29, %get3A_30] : memref<8x4xf32, #tpu.memory_space<smem>>
    %mul3A = vector.broadcast %get3A_31 : f32 to vector<1000x256xf32>
    %mul3A_32 = arith.mulf %dot_general3A_7, %mul3A : vector<1000x256xf32>
    %get3A_33 = arith.constant 0 : index
    %get3A_34 = arith.constant 1 : index
    %get3A_35 = memref.load %arg3[%get3A_33, %get3A_34] : memref<8x4xf32, #tpu.memory_space<smem>>
    %mul3A_36 = vector.broadcast %get3A_35 : f32 to vector<1000x256xf32>
    %mul3A_37 = arith.mulf %dot_general3A_14, %mul3A_36 : vector<1000x256xf32>
    %add3A = arith.addf %mul3A_32, %mul3A_37 : vector<1000x256xf32>
    %get3A_38 = arith.constant 0 : index
    %get3A_39 = arith.constant 2 : index
    %get3A_40 = memref.load %arg3[%get3A_38, %get3A_39] : memref<8x4xf32, #tpu.memory_space<smem>>
    %mul3A_41 = vector.broadcast %get3A_40 : f32 to vector<1000x256xf32>
    %mul3A_42 = arith.mulf %dot_general3A_21, %mul3A_41 : vector<1000x256xf32>
    %add3A_43 = arith.addf %add3A, %mul3A_42 : vector<1000x256xf32>
    %get3A_44 = arith.constant 0 : index
    %get3A_45 = arith.constant 3 : index
    %get3A_46 = memref.load %arg3[%get3A_44, %get3A_45] : memref<8x4xf32, #tpu.memory_space<smem>>
    %mul3A_47 = vector.broadcast %get3A_46 : f32 to vector<1000x256xf32>
    %mul3A_48 = arith.mulf %dot_general3A_28, %mul3A_47 : vector<1000x256xf32>
    %add3A_49 = arith.addf %add3A_43, %mul3A_48 : vector<1000x256xf32>
    %slice3A = vector.extract_strided_slice %add3A_49 {offsets = [0, 0], sizes = [1000, 128], strides = [1, 1]} : vector<1000x256xf32> to vector<1000x128xf32>
    %swap3A = arith.constant 0 : index
    %swap3A_50 = arith.constant 0 : index
    %swap3A_51 = arith.constant 0 : index
    %swap3A_52 = arith.constant 0 : index
    %swap3A_53 = vector.load %arg5[%swap3A, %swap3A_50, %swap3A_51, %swap3A_52] : memref<2x8x1000x128xf32, #tpu.memory_space<vmem>>, vector<1x1x1000x128xf32>
    %swap3A_54 = vector.shape_cast %swap3A_53 : vector<1x1x1000x128xf32> to vector<1000x128xf32>
    %swap3A_55 = vector.shape_cast %slice3A : vector<1000x128xf32> to vector<1x1x1000x128xf32>
    tpu.vector_store %arg5[%swap3A, %swap3A_50, %swap3A_51, %swap3A_52], %swap3A_55 {strides = array<i32>} : memref<2x8x1000x128xf32, #tpu.memory_space<vmem>>, vector<1x1x1000x128xf32>,
    %slice3A_56 = vector.extract_strided_slice %add3A_49 {offsets = [0, 128], sizes = [1000, 128], strides = [1, 1]} : vector<1000x256xf32> to vector<1000x128xf32>
    %swap3A_57 = arith.constant 1 : index
    %swap3A_58 = arith.constant 0 : index
    %swap3A_59 = arith.constant 0 : index
    %swap3A_60 = arith.constant 0 : index
    %swap3A_61 = vector.load %arg5[%swap3A_57, %swap3A_58, %swap3A_59, %swap3A_60] : memref<2x8x1000x128xf32, #tpu.memory_space<vmem>>, vector<1x1x1000x128xf32>
    %swap3A_62 = vector.shape_cast %swap3A_61 : vector<1x1x1000x128xf32> to vector<1000x128xf32>
    %swap3A_63 = vector.shape_cast %slice3A_56 : vector<1000x128xf32> to vector<1x1x1000x128xf32>
    tpu.vector_store %arg5[%swap3A_57, %swap3A_58, %swap3A_59, %swap3A_60], %swap3A_63 {strides = array<i32>} : memref<2x8x1000x128xf32, #tpu.memory_space<vmem>>, vector<1x1x1000x128xf32>,
    %get3A_64 = arith.constant 1 : index
    %get3A_65 = arith.constant 0 : index
    %get3A_66 = memref.load %arg3[%get3A_64, %get3A_65] : memref<8x4xf32, #tpu.memory_space<smem>>
    %mul3A_67 = vector.broadcast %get3A_66 : f32 to vector<1000x256xf32>
    %mul3A_68 = arith.mulf %dot_general3A_7, %mul3A_67 : vector<1000x256xf32>
    %get3A_69 = arith.constant 1 : index
    %get3A_70 = arith.constant 1 : index
    %get3A_71 = memref.load %arg3[%get3A_69, %get3A_70] : memref<8x4xf32, #tpu.memory_space<smem>>
    %mul3A_72 = vector.broadcast %get3A_71 : f32 to vector<1000x256xf32>
    %mul3A_73 = arith.mulf %dot_general3A_14, %mul3A_72 : vector<1000x256xf32>
    %add3A_74 = arith.addf %mul3A_68, %mul3A_73 : vector<1000x256xf32>
    %get3A_75 = arith.constant 1 : index
    %get3A_76 = arith.constant 2 : index
    %get3A_77 = memref.load %arg3[%get3A_75, %get3A_76] : memref<8x4xf32, #tpu.memory_space<smem>>
    %mul3A_78 = vector.broadcast %get3A_77 : f32 to vector<1000x256xf32>
    %mul3A_79 = arith.mulf %dot_general3A_21, %mul3A_78 : vector<1000x256xf32>
    %add3A_80 = arith.addf %add3A_74, %mul3A_79 : vector<1000x256xf32>
    %get3A_81 = arith.constant 1 : index
    %get3A_82 = arith.constant 3 : index
    %get3A_83 = memref.load %arg3[%get3A_81, %get3A_82] : memref<8x4xf32, #tpu.memory_space<smem>>
    %mul3A_84 = vector.broadcast %get3A_83 : f32 to vector<1000x256xf32>
    %mul3A_85 = arith.mulf %dot_general3A_28, %mul3A_84 : vector<1000x256xf32>
    %add3A_86 = arith.addf %add3A_80, %mul3A_85 : vector<1000x256xf32>
    %slice3A_87 = vector.extract_strided_slice %add3A_86 {offsets = [0, 0], sizes = [1000, 128], strides = [1, 1]} : vector<1000x256xf32> to vector<1000x128xf32>
    %swap3A_88 = arith.constant 0 : index
    %swap3A_89 = arith.constant 1 : index
    %swap3A_90 = arith.constant 0 : index
    %swap3A_91 = arith.constant 0 : index
    %swap3A_92 = vector.load %arg5[%swap3A_88, %swap3A_89, %swap3A_90, %swap3A_91] : memref<2x8x1000x128xf32, #tpu.memory_space<vmem>>, vector<1x1x1000x128xf32>
    %swap3A_93 = vector.shape_cast %swap3A_92 : vector<1x1x1000x128xf32> to vector<1000x128xf32>
    %swap3A_94 = vector.shape_cast %slice3A_87 : vector<1000x128xf32> to vector<1x1x1000x128xf32>
    tpu.vector_store %arg5[%swap3A_88, %swap3A_89, %swap3A_90, %swap3A_91], %swap3A_94 {strides = array<i32>} : memref<2x8x1000x128xf32, #tpu.memory_space<vmem>>, vector<1x1x1000x128xf32>,
    %slice3A_95 = vector.extract_strided_slice %add3A_86 {offsets = [0, 128], sizes = [1000, 128], strides = [1, 1]} : vector<1000x256xf32> to vector<1000x128xf32>
    %swap3A_96 = arith.constant 1 : index
    %swap3A_97 = arith.constant 1 : index
    %swap3A_98 = arith.constant 0 : index
    %swap3A_99 = arith.constant 0 : index
    %swap3A_100 = vector.load %arg5[%swap3A_96, %swap3A_97, %swap3A_98, %swap3A_99] : memref<2x8x1000x128xf32, #tpu.memory_space<vmem>>, vector<1x1x1000x128xf32>
    %swap3A_101 = vector.shape_cast %swap3A_100 : vector<1x1x1000x128xf32> to vector<1000x128xf32>
    %swap3A_102 = vector.shape_cast %slice3A_95 : vector<1000x128xf32> to vector<1x1x1000x128xf32>
    tpu.vector_store %arg5[%swap3A_96, %swap3A_97, %swap3A_98, %swap3A_99], %swap3A_102 {strides = array<i32>} : memref<2x8x1000x128xf32, #tpu.memory_space<vmem>>, vector<1x1x1000x128xf32>,
    %get3A_103 = arith.constant 2 : index
    %get3A_104 = arith.constant 0 : index
    %get3A_105 = memref.load %arg3[%get3A_103, %get3A_104] : memref<8x4xf32, #tpu.memory_space<smem>>
    %mul3A_106 = vector.broadcast %get3A_105 : f32 to vector<1000x256xf32>
    %mul3A_107 = arith.mulf %dot_general3A_7, %mul3A_106 : vector<1000x256xf32>
    %get3A_108 = arith.constant 2 : index
    %get3A_109 = arith.constant 1 : index
    %get3A_110 = memref.load %arg3[%get3A_108, %get3A_109] : memref<8x4xf32, #tpu.memory_space<smem>>
    %mul3A_111 = vector.broadcast %get3A_110 : f32 to vector<1000x256xf32>
    %mul3A_112 = arith.mulf %dot_general3A_14, %mul3A_111 : vector<1000x256xf32>
    %add3A_113 = arith.addf %mul3A_107, %mul3A_112 : vector<1000x256xf32>
    %get3A_114 = arith.constant 2 : index
    %get3A_115 = arith.constant 2 : index
    %get3A_116 = memref.load %arg3[%get3A_114, %get3A_115] : memref<8x4xf32, #tpu.memory_space<smem>>
    %mul3A_117 = vector.broadcast %get3A_116 : f32 to vector<1000x256xf32>
    %mul3A_118 = arith.mulf %dot_general3A_21, %mul3A_117 : vector<1000x256xf32>
    %add3A_119 = arith.addf %add3A_113, %mul3A_118 : vector<1000x256xf32>
    %get3A_120 = arith.constant 2 : index
    %get3A_121 = arith.constant 3 : index
    %get3A_122 = memref.load %arg3[%get3A_120, %get3A_121] : memref<8x4xf32, #tpu.memory_space<smem>>
    %mul3A_123 = vector.broadcast %get3A_122 : f32 to vector<1000x256xf32>
    %mul3A_124 = arith.mulf %dot_general3A_28, %mul3A_123 : vector<1000x256xf32>
    %add3A_125 = arith.addf %add3A_119, %mul3A_124 : vector<1000x256xf32>
    %slice3A_126 = vector.extract_strided_slice %add3A_125 {offsets = [0, 0], sizes = [1000, 128], strides = [1, 1]} : vector<1000x256xf32> to vector<1000x128xf32>
    %swap3A_127 = arith.constant 0 : index
    %swap3A_128 = arith.constant 2 : index
    %swap3A_129 = arith.constant 0 : index
    %swap3A_130 = arith.constant 0 : index
    %swap3A_131 = vector.load %arg5[%swap3A_127, %swap3A_128, %swap3A_129, %swap3A_130] : memref<2x8x1000x128xf32, #tpu.memory_space<vmem>>, vector<1x1x1000x128xf32>
    %swap3A_132 = vector.shape_cast %swap3A_131 : vector<1x1x1000x128xf32> to vector<1000x128xf32>
    %swap3A_133 = vector.shape_cast %slice3A_126 : vector<1000x128xf32> to vector<1x1x1000x128xf32>
    tpu.vector_store %arg5[%swap3A_127, %swap3A_128, %swap3A_129, %swap3A_130], %swap3A_133 {strides = array<i32>} : memref<2x8x1000x128xf32, #tpu.memory_space<vmem>>, vector<1x1x1000x128xf32>,
    %slice3A_134 = vector.extract_strided_slice %add3A_125 {offsets = [0, 128], sizes = [1000, 128], strides = [1, 1]} : vector<1000x256xf32> to vector<1000x128xf32>
    %swap3A_135 = arith.constant 1 : index
    %swap3A_136 = arith.constant 2 : index
    %swap3A_137 = arith.constant 0 : index
    %swap3A_138 = arith.constant 0 : index
    %swap3A_139 = vector.load %arg5[%swap3A_135, %swap3A_136, %swap3A_137, %swap3A_138] : memref<2x8x1000x128xf32, #tpu.memory_space<vmem>>, vector<1x1x1000x128xf32>
    %swap3A_140 = vector.shape_cast %swap3A_139 : vector<1x1x1000x128xf32> to vector<1000x128xf32>
    %swap3A_141 = vector.shape_cast %slice3A_134 : vector<1000x128xf32> to vector<1x1x1000x128xf32>
    tpu.vector_store %arg5[%swap3A_135, %swap3A_136, %swap3A_137, %swap3A_138], %swap3A_141 {strides = array<i32>} : memref<2x8x1000x128xf32, #tpu.memory_space<vmem>>, vector<1x1x1000x128xf32>,
    %get3A_142 = arith.constant 3 : index
    %get3A_143 = arith.constant 0 : index
    %get3A_144 = memref.load %arg3[%get3A_142, %get3A_143] : memref<8x4xf32, #tpu.memory_space<smem>>
    %mul3A_145 = vector.broadcast %get3A_144 : f32 to vector<1000x256xf32>
    %mul3A_146 = arith.mulf %dot_general3A_7, %mul3A_145 : vector<1000x256xf32>
    %get3A_147 = arith.constant 3 : index
    %get3A_148 = arith.constant 1 : index
    %get3A_149 = memref.load %arg3[%get3A_147, %get3A_148] : memref<8x4xf32, #tpu.memory_space<smem>>
    %mul3A_150 = vector.broadcast %get3A_149 : f32 to vector<1000x256xf32>
    %mul3A_151 = arith.mulf %dot_general3A_14, %mul3A_150 : vector<1000x256xf32>
    %add3A_152 = arith.addf %mul3A_146, %mul3A_151 : vector<1000x256xf32>
    %get3A_153 = arith.constant 3 : index
    %get3A_154 = arith.constant 2 : index
    %get3A_155 = memref.load %arg3[%get3A_153, %get3A_154] : memref<8x4xf32, #tpu.memory_space<smem>>
    %mul3A_156 = vector.broadcast %get3A_155 : f32 to vector<1000x256xf32>
    %mul3A_157 = arith.mulf %dot_general3A_21, %mul3A_156 : vector<1000x256xf32>
    %add3A_158 = arith.addf %add3A_152, %mul3A_157 : vector<1000x256xf32>
    %get3A_159 = arith.constant 3 : index
    %get3A_160 = arith.constant 3 : index
    %get3A_161 = memref.load %arg3[%get3A_159, %get3A_160] : memref<8x4xf32, #tpu.memory_space<smem>>
    %mul3A_162 = vector.broadcast %get3A_161 : f32 to vector<1000x256xf32>
    %mul3A_163 = arith.mulf %dot_general3A_28, %mul3A_162 : vector<1000x256xf32>
    %add3A_164 = arith.addf %add3A_158, %mul3A_163 : vector<1000x256xf32>
    %slice3A_165 = vector.extract_strided_slice %add3A_164 {offsets = [0, 0], sizes = [1000, 128], strides = [1, 1]} : vector<1000x256xf32> to vector<1000x128xf32>
    %swap3A_166 = arith.constant 0 : index
    %swap3A_167 = arith.constant 3 : index
    %swap3A_168 = arith.constant 0 : index
    %swap3A_169 = arith.constant 0 : index
    %swap3A_170 = vector.load %arg5[%swap3A_166, %swap3A_167, %swap3A_168, %swap3A_169] : memref<2x8x1000x128xf32, #tpu.memory_space<vmem>>, vector<1x1x1000x128xf32>
    %swap3A_171 = vector.shape_cast %swap3A_170 : vector<1x1x1000x128xf32> to vector<1000x128xf32>
    %swap3A_172 = vector.shape_cast %slice3A_165 : vector<1000x128xf32> to vector<1x1x1000x128xf32>
    tpu.vector_store %arg5[%swap3A_166, %swap3A_167, %swap3A_168, %swap3A_169], %swap3A_172 {strides = array<i32>} : memref<2x8x1000x128xf32, #tpu.memory_space<vmem>>, vector<1x1x1000x128xf32>,
    %slice3A_173 = vector.extract_strided_slice %add3A_164 {offsets = [0, 128], sizes = [1000, 128], strides = [1, 1]} : vector<1000x256xf32> to vector<1000x128xf32>
    %swap3A_174 = arith.constant 1 : index
    %swap3A_175 = arith.constant 3 : index
    %swap3A_176 = arith.constant 0 : index
    %swap3A_177 = arith.constant 0 : index
    %swap3A_178 = vector.load %arg5[%swap3A_174, %swap3A_175, %swap3A_176, %swap3A_177] : memref<2x8x1000x128xf32, #tpu.memory_space<vmem>>, vector<1x1x1000x128xf32>
    %swap3A_179 = vector.shape_cast %swap3A_178 : vector<1x1x1000x128xf32> to vector<1000x128xf32>
    %swap3A_180 = vector.shape_cast %slice3A_173 : vector<1000x128xf32> to vector<1x1x1000x128xf32>
    tpu.vector_store %arg5[%swap3A_174, %swap3A_175, %swap3A_176, %swap3A_177], %swap3A_180 {strides = array<i32>} : memref<2x8x1000x128xf32, #tpu.memory_space<vmem>>, vector<1x1x1000x128xf32>,
    %get3A_181 = arith.constant 4 : index
    %get3A_182 = arith.constant 0 : index
    %get3A_183 = memref.load %arg3[%get3A_181, %get3A_182] : memref<8x4xf32, #tpu.memory_space<smem>>
    %mul3A_184 = vector.broadcast %get3A_183 : f32 to vector<1000x256xf32>
    %mul3A_185 = arith.mulf %dot_general3A_7, %mul3A_184 : vector<1000x256xf32>
    %get3A_186 = arith.constant 4 : index
    %get3A_187 = arith.constant 1 : index
    %get3A_188 = memref.load %arg3[%get3A_186, %get3A_187] : memref<8x4xf32, #tpu.memory_space<smem>>
    %mul3A_189 = vector.broadcast %get3A_188 : f32 to vector<1000x256xf32>
    %mul3A_190 = arith.mulf %dot_general3A_14, %mul3A_189 : vector<1000x256xf32>
    %add3A_191 = arith.addf %mul3A_185, %mul3A_190 : vector<1000x256xf32>
    %get3A_192 = arith.constant 4 : index
    %get3A_193 = arith.constant 2 : index
    %get3A_194 = memref.load %arg3[%get3A_192, %get3A_193] : memref<8x4xf32, #tpu.memory_space<smem>>
    %mul3A_195 = vector.broadcast %get3A_194 : f32 to vector<1000x256xf32>
    %mul3A_196 = arith.mulf %dot_general3A_21, %mul3A_195 : vector<1000x256xf32>
    %add3A_197 = arith.addf %add3A_191, %mul3A_196 : vector<1000x256xf32>
    %get3A_198 = arith.constant 4 : index
    %get3A_199 = arith.constant 3 : index
    %get3A_200 = memref.load %arg3[%get3A_198, %get3A_199] : memref<8x4xf32, #tpu.memory_space<smem>>
    %mul3A_201 = vector.broadcast %get3A_200 : f32 to vector<1000x256xf32>
    %mul3A_202 = arith.mulf %dot_general3A_28, %mul3A_201 : vector<1000x256xf32>
    %add3A_203 = arith.addf %add3A_197, %mul3A_202 : vector<1000x256xf32>
    %slice3A_204 = vector.extract_strided_slice %add3A_203 {offsets = [0, 0], sizes = [1000, 128], strides = [1, 1]} : vector<1000x256xf32> to vector<1000x128xf32>
    %swap3A_205 = arith.constant 0 : index
    %swap3A_206 = arith.constant 4 : index
    %swap3A_207 = arith.constant 0 : index
    %swap3A_208 = arith.constant 0 : index
    %swap3A_209 = vector.load %arg5[%swap3A_205, %swap3A_206, %swap3A_207, %swap3A_208] : memref<2x8x1000x128xf32, #tpu.memory_space<vmem>>, vector<1x1x1000x128xf32>
    %swap3A_210 = vector.shape_cast %swap3A_209 : vector<1x1x1000x128xf32> to vector<1000x128xf32>
    %swap3A_211 = vector.shape_cast %slice3A_204 : vector<1000x128xf32> to vector<1x1x1000x128xf32>
    tpu.vector_store %arg5[%swap3A_205, %swap3A_206, %swap3A_207, %swap3A_208], %swap3A_211 {strides = array<i32>} : memref<2x8x1000x128xf32, #tpu.memory_space<vmem>>, vector<1x1x1000x128xf32>,
    %slice3A_212 = vector.extract_strided_slice %add3A_203 {offsets = [0, 128], sizes = [1000, 128], strides = [1, 1]} : vector<1000x256xf32> to vector<1000x128xf32>
    %swap3A_213 = arith.constant 1 : index
    %swap3A_214 = arith.constant 4 : index
    %swap3A_215 = arith.constant 0 : index
    %swap3A_216 = arith.constant 0 : index
    %swap3A_217 = vector.load %arg5[%swap3A_213, %swap3A_214, %swap3A_215, %swap3A_216] : memref<2x8x1000x128xf32, #tpu.memory_space<vmem>>, vector<1x1x1000x128xf32>
    %swap3A_218 = vector.shape_cast %swap3A_217 : vector<1x1x1000x128xf32> to vector<1000x128xf32>
    %swap3A_219 = vector.shape_cast %slice3A_212 : vector<1000x128xf32> to vector<1x1x1000x128xf32>
    tpu.vector_store %arg5[%swap3A_213, %swap3A_214, %swap3A_215, %swap3A_216], %swap3A_219 {strides = array<i32>} : memref<2x8x1000x128xf32, #tpu.memory_space<vmem>>, vector<1x1x1000x128xf32>,
    %get3A_220 = arith.constant 5 : index
    %get3A_221 = arith.constant 0 : index
    %get3A_222 = memref.load %arg3[%get3A_220, %get3A_221] : memref<8x4xf32, #tpu.memory_space<smem>>
    %mul3A_223 = vector.broadcast %get3A_222 : f32 to vector<1000x256xf32>
    %mul3A_224 = arith.mulf %dot_general3A_7, %mul3A_223 : vector<1000x256xf32>
    %get3A_225 = arith.constant 5 : index
    %get3A_226 = arith.constant 1 : index
    %get3A_227 = memref.load %arg3[%get3A_225, %get3A_226] : memref<8x4xf32, #tpu.memory_space<smem>>
    %mul3A_228 = vector.broadcast %get3A_227 : f32 to vector<1000x256xf32>
    %mul3A_229 = arith.mulf %dot_general3A_14, %mul3A_228 : vector<1000x256xf32>
    %add3A_230 = arith.addf %mul3A_224, %mul3A_229 : vector<1000x256xf32>
    %get3A_231 = arith.constant 5 : index
    %get3A_232 = arith.constant 2 : index
    %get3A_233 = memref.load %arg3[%get3A_231, %get3A_232] : memref<8x4xf32, #tpu.memory_space<smem>>
    %mul3A_234 = vector.broadcast %get3A_233 : f32 to vector<1000x256xf32>
    %mul3A_235 = arith.mulf %dot_general3A_21, %mul3A_234 : vector<1000x256xf32>
    %add3A_236 = arith.addf %add3A_230, %mul3A_235 : vector<1000x256xf32>
    %get3A_237 = arith.constant 5 : index
    %get3A_238 = arith.constant 3 : index
    %get3A_239 = memref.load %arg3[%get3A_237, %get3A_238] : memref<8x4xf32, #tpu.memory_space<smem>>
    %mul3A_240 = vector.broadcast %get3A_239 : f32 to vector<1000x256xf32>
    %mul3A_241 = arith.mulf %dot_general3A_28, %mul3A_240 : vector<1000x256xf32>
    %add3A_242 = arith.addf %add3A_236, %mul3A_241 : vector<1000x256xf32>
    %slice3A_243 = vector.extract_strided_slice %add3A_242 {offsets = [0, 0], sizes = [1000, 128], strides = [1, 1]} : vector<1000x256xf32> to vector<1000x128xf32>
    %swap3A_244 = arith.constant 0 : index
    %swap3A_245 = arith.constant 5 : index
    %swap3A_246 = arith.constant 0 : index
    %swap3A_247 = arith.constant 0 : index
    %swap3A_248 = vector.load %arg5[%swap3A_244, %swap3A_245, %swap3A_246, %swap3A_247] : memref<2x8x1000x128xf32, #tpu.memory_space<vmem>>, vector<1x1x1000x128xf32>
    %swap3A_249 = vector.shape_cast %swap3A_248 : vector<1x1x1000x128xf32> to vector<1000x128xf32>
    %swap3A_250 = vector.shape_cast %slice3A_243 : vector<1000x128xf32> to vector<1x1x1000x128xf32>
    tpu.vector_store %arg5[%swap3A_244, %swap3A_245, %swap3A_246, %swap3A_247], %swap3A_250 {strides = array<i32>} : memref<2x8x1000x128xf32, #tpu.memory_space<vmem>>, vector<1x1x1000x128xf32>,
    %slice3A_251 = vector.extract_strided_slice %add3A_242 {offsets = [0, 128], sizes = [1000, 128], strides = [1, 1]} : vector<1000x256xf32> to vector<1000x128xf32>
    %swap3A_252 = arith.constant 1 : index
    %swap3A_253 = arith.constant 5 : index
    %swap3A_254 = arith.constant 0 : index
    %swap3A_255 = arith.constant 0 : index
    %swap3A_256 = vector.load %arg5[%swap3A_252, %swap3A_253, %swap3A_254, %swap3A_255] : memref<2x8x1000x128xf32, #tpu.memory_space<vmem>>, vector<1x1x1000x128xf32>
    %swap3A_257 = vector.shape_cast %swap3A_256 : vector<1x1x1000x128xf32> to vector<1000x128xf32>
    %swap3A_258 = vector.shape_cast %slice3A_251 : vector<1000x128xf32> to vector<1x1x1000x128xf32>
    tpu.vector_store %arg5[%swap3A_252, %swap3A_253, %swap3A_254, %swap3A_255], %swap3A_258 {strides = array<i32>} : memref<2x8x1000x128xf32, #tpu.memory_space<vmem>>, vector<1x1x1000x128xf32>,
    %get3A_259 = arith.constant 6 : index
    %get3A_260 = arith.constant 0 : index
    %get3A_261 = memref.load %arg3[%get3A_259, %get3A_260] : memref<8x4xf32, #tpu.memory_space<smem>>
    %mul3A_262 = vector.broadcast %get3A_261 : f32 to vector<1000x256xf32>
    %mul3A_263 = arith.mulf %dot_general3A_7, %mul3A_262 : vector<1000x256xf32>
    %get3A_264 = arith.constant 6 : index
    %get3A_265 = arith.constant 1 : index
    %get3A_266 = memref.load %arg3[%get3A_264, %get3A_265] : memref<8x4xf32, #tpu.memory_space<smem>>
    %mul3A_267 = vector.broadcast %get3A_266 : f32 to vector<1000x256xf32>
    %mul3A_268 = arith.mulf %dot_general3A_14, %mul3A_267 : vector<1000x256xf32>
    %add3A_269 = arith.addf %mul3A_263, %mul3A_268 : vector<1000x256xf32>
    %get3A_270 = arith.constant 6 : index
    %get3A_271 = arith.constant 2 : index
    %get3A_272 = memref.load %arg3[%get3A_270, %get3A_271] : memref<8x4xf32, #tpu.memory_space<smem>>
    %mul3A_273 = vector.broadcast %get3A_272 : f32 to vector<1000x256xf32>
    %mul3A_274 = arith.mulf %dot_general3A_21, %mul3A_273 : vector<1000x256xf32>
    %add3A_275 = arith.addf %add3A_269, %mul3A_274 : vector<1000x256xf32>
    %get3A_276 = arith.constant 6 : index
    %get3A_277 = arith.constant 3 : index
    %get3A_278 = memref.load %arg3[%get3A_276, %get3A_277] : memref<8x4xf32, #tpu.memory_space<smem>>
    %mul3A_279 = vector.broadcast %get3A_278 : f32 to vector<1000x256xf32>
    %mul3A_280 = arith.mulf %dot_general3A_28, %mul3A_279 : vector<1000x256xf32>
    %add3A_281 = arith.addf %add3A_275, %mul3A_280 : vector<1000x256xf32>
    %slice3A_282 = vector.extract_strided_slice %add3A_281 {offsets = [0, 0], sizes = [1000, 128], strides = [1, 1]} : vector<1000x256xf32> to vector<1000x128xf32>
    %swap3A_283 = arith.constant 0 : index
    %swap3A_284 = arith.constant 6 : index
    %swap3A_285 = arith.constant 0 : index
    %swap3A_286 = arith.constant 0 : index
    %swap3A_287 = vector.load %arg5[%swap3A_283, %swap3A_284, %swap3A_285, %swap3A_286] : memref<2x8x1000x128xf32, #tpu.memory_space<vmem>>, vector<1x1x1000x128xf32>
    %swap3A_288 = vector.shape_cast %swap3A_287 : vector<1x1x1000x128xf32> to vector<1000x128xf32>
    %swap3A_289 = vector.shape_cast %slice3A_282 : vector<1000x128xf32> to vector<1x1x1000x128xf32>
    tpu.vector_store %arg5[%swap3A_283, %swap3A_284, %swap3A_285, %swap3A_286], %swap3A_289 {strides = array<i32>} : memref<2x8x1000x128xf32, #tpu.memory_space<vmem>>, vector<1x1x1000x128xf32>,
    %slice3A_290 = vector.extract_strided_slice %add3A_281 {offsets = [0, 128], sizes = [1000, 128], strides = [1, 1]} : vector<1000x256xf32> to vector<1000x128xf32>
    %swap3A_291 = arith.constant 1 : index
    %swap3A_292 = arith.constant 6 : index
    %swap3A_293 = arith.constant 0 : index
    %swap3A_294 = arith.constant 0 : index
    %swap3A_295 = vector.load %arg5[%swap3A_291, %swap3A_292, %swap3A_293, %swap3A_294] : memref<2x8x1000x128xf32, #tpu.memory_space<vmem>>, vector<1x1x1000x128xf32>
    %swap3A_296 = vector.shape_cast %swap3A_295 : vector<1x1x1000x128xf32> to vector<1000x128xf32>
    %swap3A_297 = vector.shape_cast %slice3A_290 : vector<1000x128xf32> to vector<1x1x1000x128xf32>
    tpu.vector_store %arg5[%swap3A_291, %swap3A_292, %swap3A_293, %swap3A_294], %swap3A_297 {strides = array<i32>} : memref<2x8x1000x128xf32, #tpu.memory_space<vmem>>, vector<1x1x1000x128xf32>,
    %get3A_298 = arith.constant 7 : index
    %get3A_299 = arith.constant 0 : index
    %get3A_300 = memref.load %arg3[%get3A_298, %get3A_299] : memref<8x4xf32, #tpu.memory_space<smem>>
    %mul3A_301 = vector.broadcast %get3A_300 : f32 to vector<1000x256xf32>
    %mul3A_302 = arith.mulf %dot_general3A_7, %mul3A_301 : vector<1000x256xf32>
    %get3A_303 = arith.constant 7 : index
    %get3A_304 = arith.constant 1 : index
    %get3A_305 = memref.load %arg3[%get3A_303, %get3A_304] : memref<8x4xf32, #tpu.memory_space<smem>>
    %mul3A_306 = vector.broadcast %get3A_305 : f32 to vector<1000x256xf32>
    %mul3A_307 = arith.mulf %dot_general3A_14, %mul3A_306 : vector<1000x256xf32>
    %add3A_308 = arith.addf %mul3A_302, %mul3A_307 : vector<1000x256xf32>
    %get3A_309 = arith.constant 7 : index
    %get3A_310 = arith.constant 2 : index
    %get3A_311 = memref.load %arg3[%get3A_309, %get3A_310] : memref<8x4xf32, #tpu.memory_space<smem>>
    %mul3A_312 = vector.broadcast %get3A_311 : f32 to vector<1000x256xf32>
    %mul3A_313 = arith.mulf %dot_general3A_21, %mul3A_312 : vector<1000x256xf32>
    %add3A_314 = arith.addf %add3A_308, %mul3A_313 : vector<1000x256xf32>
    %get3A_315 = arith.constant 7 : index
    %get3A_316 = arith.constant 3 : index
    %get3A_317 = memref.load %arg3[%get3A_315, %get3A_316] : memref<8x4xf32, #tpu.memory_space<smem>>
    %mul3A_318 = vector.broadcast %get3A_317 : f32 to vector<1000x256xf32>
    %mul3A_319 = arith.mulf %dot_general3A_28, %mul3A_318 : vector<1000x256xf32>
    %add3A_320 = arith.addf %add3A_314, %mul3A_319 : vector<1000x256xf32>
    %slice3A_321 = vector.extract_strided_slice %add3A_320 {offsets = [0, 0], sizes = [1000, 128], strides = [1, 1]} : vector<1000x256xf32> to vector<1000x128xf32>
    %swap3A_322 = arith.constant 0 : index
    %swap3A_323 = arith.constant 7 : index
    %swap3A_324 = arith.constant 0 : index
    %swap3A_325 = arith.constant 0 : index
    %swap3A_326 = vector.load %arg5[%swap3A_322, %swap3A_323, %swap3A_324, %swap3A_325] : memref<2x8x1000x128xf32, #tpu.memory_space<vmem>>, vector<1x1x1000x128xf32>
    %swap3A_327 = vector.shape_cast %swap3A_326 : vector<1x1x1000x128xf32> to vector<1000x128xf32>
    %swap3A_328 = vector.shape_cast %slice3A_321 : vector<1000x128xf32> to vector<1x1x1000x128xf32>
    tpu.vector_store %arg5[%swap3A_322, %swap3A_323, %swap3A_324, %swap3A_325], %swap3A_328 {strides = array<i32>} : memref<2x8x1000x128xf32, #tpu.memory_space<vmem>>, vector<1x1x1000x128xf32>,
    %slice3A_329 = vector.extract_strided_slice %add3A_320 {offsets = [0, 128], sizes = [1000, 128], strides = [1, 1]} : vector<1000x256xf32> to vector<1000x128xf32>
    %swap3A_330 = arith.constant 1 : index
    %swap3A_331 = arith.constant 7 : index
    %swap3A_332 = arith.constant 0 : index
    %swap3A_333 = arith.constant 0 : index
    %swap3A_334 = vector.load %arg5[%swap3A_330, %swap3A_331, %swap3A_332, %swap3A_333] : memref<2x8x1000x128xf32, #tpu.memory_space<vmem>>, vector<1x1x1000x128xf32>
    %swap3A_335 = vector.shape_cast %swap3A_334 : vector<1x1x1000x128xf32> to vector<1000x128xf32>
    %swap3A_336 = vector.shape_cast %slice3A_329 : vector<1000x128xf32> to vector<1x1x1000x128xf32>
    tpu.vector_store %arg5[%swap3A_330, %swap3A_331, %swap3A_332, %swap3A_333], %swap3A_336 {strides = array<i32>} : memref<2x8x1000x128xf32, #tpu.memory_space<vmem>>, vector<1x1x1000x128xf32>,
    %get3A_337 = arith.constant 0 : index
    %get3A_338 = arith.constant 0 : index
    %get3A_339 = vector.load %arg4[%get3A_337, %get3A_338] : memref<128x256xf32, #tpu.memory_space<vmem>>, vector<128x256xf32>
    %dot_general3A_340 = arith.constant dense<0.000000e+00> : vector<1000x256xf32>
    %dot_general3A_341 = tpu.matmul %get3A_1, %get3A_339, %dot_general3A_340 {dimension_numbers = #tpu.dot_dimension_numbers<[1], [0], [0], [1], [0, 0, 1, 1], [], []>, transpose_lhs_hint = false} : vector<1000x128xf32>, vector<128x256xf32>, vector<1000x256xf32> -> vector<1000x256xf32>
    %swap3A_342 = arith.constant 0 : index
    %swap3A_343 = arith.constant 0 : index
    %swap3A_344 = vector.load %arg6[%swap3A_342, %swap3A_343] : memref<1000x256xf32, #tpu.memory_space<vmem>>, vector<1000x256xf32>
    tpu.vector_store %arg6[%swap3A_342, %swap3A_343], %dot_general3A_341 {strides = array<i32>} : memref<1000x256xf32, #tpu.memory_space<vmem>>, vector<1000x256xf32>,
    return
  }
  func.func @transform_0(%arg0: i32) -> (i32, i32) {
    %c0_i32 = arith.constant 0 : i32
    %c0_i32_0 = arith.constant 0 : i32
    return %arg0, %c0_i32 : i32, i32
  }
  func.func @transform_1(%arg0: i32) -> (i32, i32, i32) {
    %c0_i32 = arith.constant 0 : i32
    %c0_i32_0 = arith.constant 0 : i32
    %c0_i32_1 = arith.constant 0 : i32
    %c0_i32_2 = arith.constant 0 : i32
    return %c0_i32, %c0_i32_0, %c0_i32_1 : i32, i32, i32
  }
  func.func @transform_2(%arg0: i32) -> (i32, i32) {
    %c0_i32 = arith.constant 0 : i32
    %c0_i32_0 = arith.constant 0 : i32
    %c0_i32_1 = arith.constant 0 : i32
    return %c0_i32, %c0_i32_0 : i32, i32
  }
  func.func @transform_3(%arg0: i32) -> (i32, i32) {
    %c0_i32 = arith.constant 0 : i32
    %c0_i32_0 = arith.constant 0 : i32
    %c0_i32_1 = arith.constant 0 : i32
    return %c0_i32, %c0_i32_0 : i32, i32
  }
  func.func @transform_4(%arg0: i32) -> (i32, i32, i32, i32) {
    %c0_i32 = arith.constant 0 : i32
    %c0_i32_0 = arith.constant 0 : i32
    %c0_i32_1 = arith.constant 0 : i32
    %c0_i32_2 = arith.constant 0 : i32
    return %c0_i32, %c0_i32_0, %arg0, %c0_i32_1 : i32, i32, i32, i32
  }
  func.func @transform_5(%arg0: i32) -> (i32, i32) {
    %c0_i32 = arith.constant 0 : i32
    %c0_i32_0 = arith.constant 0 : i32
    return %arg0, %c0_i32 : i32, i32
  }
}

module attributes {stable_mosaic.version = 14 : i64} {
  func.func @_l2_dense_body(%arg0: i32, %arg1: memref<2x1264x128xf32, #tpu.memory_space<vmem>>, %arg2: memref<1264x256xf32, #tpu.memory_space<vmem>>, %arg3: memref<4x256x64xf32, #tpu.memory_space<vmem>>, %arg4: memref<8x4xf32, #tpu.memory_space<smem>>, %arg5: memref<256x64xf32, #tpu.memory_space<vmem>>, %arg6: memref<8x1264x128xf32, #tpu.memory_space<vmem>>, %arg7: memref<1264x64xf32, #tpu.memory_space<vmem>>) attributes {dimension_semantics = [#tpu.dimension_semantics<arbitrary>], iteration_bounds = array<i64: 8>, scalar_prefetch = 0 : i64, scratch_operands = 0 : i64, tpu.core_type = #tpu.core_type<tc>, window_params = [{transform_indices = @transform_0, window_bounds = array<i64: 2, 1264, 128>}, {transform_indices = @transform_1, window_bounds = array<i64: 1264, 256>}, {pipeline_mode = #tpu.pipeline_mode<synchronous>, transform_indices = @transform_2, window_bounds = array<i64: 4, 256, 64>}, {transform_indices = @transform_3, window_bounds = array<i64: 8, 4>}, {pipeline_mode = #tpu.pipeline_mode<synchronous>, transform_indices = @transform_4, window_bounds = array<i64: 256, 64>}, {transform_indices = @transform_5, window_bounds = array<i64: 8, 1264, 128>}, {transform_indices = @transform_6, window_bounds = array<i64: 1264, 64>}]} {
    %get3A = arith.constant 0 : index
    %get3A_0 = arith.constant 0 : index
    %get3A_1 = arith.constant 0 : index
    %get3A_2 = vector.load %arg1[%get3A, %get3A_0, %get3A_1] : memref<2x1264x128xf32, #tpu.memory_space<vmem>>, vector<1x1264x128xf32>
    %get3A_3 = vector.shape_cast %get3A_2 : vector<1x1264x128xf32> to vector<1264x128xf32>
    %get3A_4 = arith.constant 0 : index
    %get3A_5 = arith.constant 0 : index
    %get3A_6 = vector.load %arg2[%get3A_4, %get3A_5] : memref<1264x256xf32, #tpu.memory_space<vmem>>, vector<1264x128xf32>
    %add3A = arith.addf %get3A_3, %get3A_6 : vector<1264x128xf32>
    %max3A = arith.constant 0.000000e+00 : f32
    %max3A_7 = vector.broadcast %max3A : f32 to vector<1264x128xf32>
    %max3A_8 = arith.maximumf %add3A, %max3A_7 : vector<1264x128xf32>
    %get3A_9 = arith.constant 1 : index
    %get3A_10 = arith.constant 0 : index
    %get3A_11 = arith.constant 0 : index
    %get3A_12 = vector.load %arg1[%get3A_9, %get3A_10, %get3A_11] : memref<2x1264x128xf32, #tpu.memory_space<vmem>>, vector<1x1264x128xf32>
    %get3A_13 = vector.shape_cast %get3A_12 : vector<1x1264x128xf32> to vector<1264x128xf32>
    %get3A_14 = arith.constant 0 : index
    %get3A_15 = arith.constant 128 : index
    %get3A_16 = vector.load %arg2[%get3A_14, %get3A_15] : memref<1264x256xf32, #tpu.memory_space<vmem>>, vector<1264x128xf32>
    %add3A_17 = arith.addf %get3A_13, %get3A_16 : vector<1264x128xf32>
    %max3A_18 = arith.constant 0.000000e+00 : f32
    %max3A_19 = vector.broadcast %max3A_18 : f32 to vector<1264x128xf32>
    %max3A_20 = arith.maximumf %add3A_17, %max3A_19 : vector<1264x128xf32>
    %concatenate3A = tpu.concatenate %max3A_8, %max3A_20 in 1 : vector<1264x128xf32>, vector<1264x128xf32> -> vector<1264x256xf32>
    %get3A_21 = arith.constant 0 : index
    %get3A_22 = arith.constant 0 : index
    %get3A_23 = arith.constant 0 : index
    %get3A_24 = vector.load %arg3[%get3A_21, %get3A_22, %get3A_23] : memref<4x256x64xf32, #tpu.memory_space<vmem>>, vector<1x256x64xf32>
    %get3A_25 = vector.shape_cast %get3A_24 : vector<1x256x64xf32> to vector<256x64xf32>
    %dot_general3A = arith.constant dense<0.000000e+00> : vector<1264x64xf32>
    %dot_general3A_26 = tpu.matmul %concatenate3A, %get3A_25, %dot_general3A {dimension_numbers = #tpu.dot_dimension_numbers<[1], [0], [0], [1], [0, 0, 1, 1], [], []>, transpose_lhs_hint = false} : vector<1264x256xf32>, vector<256x64xf32>, vector<1264x64xf32> -> vector<1264x64xf32>
    %get3A_27 = arith.constant 1 : index
    %get3A_28 = arith.constant 0 : index
    %get3A_29 = arith.constant 0 : index
    %get3A_30 = vector.load %arg3[%get3A_27, %get3A_28, %get3A_29] : memref<4x256x64xf32, #tpu.memory_space<vmem>>, vector<1x256x64xf32>
    %get3A_31 = vector.shape_cast %get3A_30 : vector<1x256x64xf32> to vector<256x64xf32>
    %dot_general3A_32 = arith.constant dense<0.000000e+00> : vector<1264x64xf32>
    %dot_general3A_33 = tpu.matmul %concatenate3A, %get3A_31, %dot_general3A_32 {dimension_numbers = #tpu.dot_dimension_numbers<[1], [0], [0], [1], [0, 0, 1, 1], [], []>, transpose_lhs_hint = false} : vector<1264x256xf32>, vector<256x64xf32>, vector<1264x64xf32> -> vector<1264x64xf32>
    %get3A_34 = arith.constant 2 : index
    %get3A_35 = arith.constant 0 : index
    %get3A_36 = arith.constant 0 : index
    %get3A_37 = vector.load %arg3[%get3A_34, %get3A_35, %get3A_36] : memref<4x256x64xf32, #tpu.memory_space<vmem>>, vector<1x256x64xf32>
    %get3A_38 = vector.shape_cast %get3A_37 : vector<1x256x64xf32> to vector<256x64xf32>
    %dot_general3A_39 = arith.constant dense<0.000000e+00> : vector<1264x64xf32>
    %dot_general3A_40 = tpu.matmul %concatenate3A, %get3A_38, %dot_general3A_39 {dimension_numbers = #tpu.dot_dimension_numbers<[1], [0], [0], [1], [0, 0, 1, 1], [], []>, transpose_lhs_hint = false} : vector<1264x256xf32>, vector<256x64xf32>, vector<1264x64xf32> -> vector<1264x64xf32>
    %get3A_41 = arith.constant 3 : index
    %get3A_42 = arith.constant 0 : index
    %get3A_43 = arith.constant 0 : index
    %get3A_44 = vector.load %arg3[%get3A_41, %get3A_42, %get3A_43] : memref<4x256x64xf32, #tpu.memory_space<vmem>>, vector<1x256x64xf32>
    %get3A_45 = vector.shape_cast %get3A_44 : vector<1x256x64xf32> to vector<256x64xf32>
    %dot_general3A_46 = arith.constant dense<0.000000e+00> : vector<1264x64xf32>
    %dot_general3A_47 = tpu.matmul %concatenate3A, %get3A_45, %dot_general3A_46 {dimension_numbers = #tpu.dot_dimension_numbers<[1], [0], [0], [1], [0, 0, 1, 1], [], []>, transpose_lhs_hint = false} : vector<1264x256xf32>, vector<256x64xf32>, vector<1264x64xf32> -> vector<1264x64xf32>
    %get3A_48 = arith.constant 0 : index
    %get3A_49 = arith.constant 0 : index
    %get3A_50 = memref.load %arg4[%get3A_48, %get3A_49] : memref<8x4xf32, #tpu.memory_space<smem>>
    %mul3A = vector.broadcast %get3A_50 : f32 to vector<1264x64xf32>
    %mul3A_51 = arith.mulf %dot_general3A_26, %mul3A : vector<1264x64xf32>
    %get3A_52 = arith.constant 0 : index
    %get3A_53 = arith.constant 1 : index
    %get3A_54 = memref.load %arg4[%get3A_52, %get3A_53] : memref<8x4xf32, #tpu.memory_space<smem>>
    %mul3A_55 = vector.broadcast %get3A_54 : f32 to vector<1264x64xf32>
    %mul3A_56 = arith.mulf %dot_general3A_33, %mul3A_55 : vector<1264x64xf32>
    %add3A_57 = arith.addf %mul3A_51, %mul3A_56 : vector<1264x64xf32>
    %get3A_58 = arith.constant 0 : index
    %get3A_59 = arith.constant 2 : index
    %get3A_60 = memref.load %arg4[%get3A_58, %get3A_59] : memref<8x4xf32, #tpu.memory_space<smem>>
    %mul3A_61 = vector.broadcast %get3A_60 : f32 to vector<1264x64xf32>
    %mul3A_62 = arith.mulf %dot_general3A_40, %mul3A_61 : vector<1264x64xf32>
    %add3A_63 = arith.addf %add3A_57, %mul3A_62 : vector<1264x64xf32>
    %get3A_64 = arith.constant 0 : index
    %get3A_65 = arith.constant 3 : index
    %get3A_66 = memref.load %arg4[%get3A_64, %get3A_65] : memref<8x4xf32, #tpu.memory_space<smem>>
    %mul3A_67 = vector.broadcast %get3A_66 : f32 to vector<1264x64xf32>
    %mul3A_68 = arith.mulf %dot_general3A_47, %mul3A_67 : vector<1264x64xf32>
    %add3A_69 = arith.addf %add3A_63, %mul3A_68 : vector<1264x64xf32>
    %broadcast_in_dim3A = arith.constant 0.000000e+00 : f32
    %broadcast_in_dim3A_70 = vector.broadcast %broadcast_in_dim3A : f32 to vector<1264x64xf32>
    %concatenate3A_71 = tpu.concatenate %add3A_69, %broadcast_in_dim3A_70 in 1 : vector<1264x64xf32>, vector<1264x64xf32> -> vector<1264x128xf32>
    %swap3A = arith.constant 0 : index
    %swap3A_72 = arith.constant 0 : index
    %swap3A_73 = arith.constant 0 : index
    %swap3A_74 = vector.load %arg6[%swap3A, %swap3A_72, %swap3A_73] : memref<8x1264x128xf32, #tpu.memory_space<vmem>>, vector<1x1264x128xf32>
    %swap3A_75 = vector.shape_cast %swap3A_74 : vector<1x1264x128xf32> to vector<1264x128xf32>
    %swap3A_76 = vector.shape_cast %concatenate3A_71 : vector<1264x128xf32> to vector<1x1264x128xf32>
    tpu.vector_store %arg6[%swap3A, %swap3A_72, %swap3A_73], %swap3A_76 {strides = array<i32>} : memref<8x1264x128xf32, #tpu.memory_space<vmem>>, vector<1x1264x128xf32>,
    %get3A_77 = arith.constant 1 : index
    %get3A_78 = arith.constant 0 : index
    %get3A_79 = memref.load %arg4[%get3A_77, %get3A_78] : memref<8x4xf32, #tpu.memory_space<smem>>
    %mul3A_80 = vector.broadcast %get3A_79 : f32 to vector<1264x64xf32>
    %mul3A_81 = arith.mulf %dot_general3A_26, %mul3A_80 : vector<1264x64xf32>
    %get3A_82 = arith.constant 1 : index
    %get3A_83 = arith.constant 1 : index
    %get3A_84 = memref.load %arg4[%get3A_82, %get3A_83] : memref<8x4xf32, #tpu.memory_space<smem>>
    %mul3A_85 = vector.broadcast %get3A_84 : f32 to vector<1264x64xf32>
    %mul3A_86 = arith.mulf %dot_general3A_33, %mul3A_85 : vector<1264x64xf32>
    %add3A_87 = arith.addf %mul3A_81, %mul3A_86 : vector<1264x64xf32>
    %get3A_88 = arith.constant 1 : index
    %get3A_89 = arith.constant 2 : index
    %get3A_90 = memref.load %arg4[%get3A_88, %get3A_89] : memref<8x4xf32, #tpu.memory_space<smem>>
    %mul3A_91 = vector.broadcast %get3A_90 : f32 to vector<1264x64xf32>
    %mul3A_92 = arith.mulf %dot_general3A_40, %mul3A_91 : vector<1264x64xf32>
    %add3A_93 = arith.addf %add3A_87, %mul3A_92 : vector<1264x64xf32>
    %get3A_94 = arith.constant 1 : index
    %get3A_95 = arith.constant 3 : index
    %get3A_96 = memref.load %arg4[%get3A_94, %get3A_95] : memref<8x4xf32, #tpu.memory_space<smem>>
    %mul3A_97 = vector.broadcast %get3A_96 : f32 to vector<1264x64xf32>
    %mul3A_98 = arith.mulf %dot_general3A_47, %mul3A_97 : vector<1264x64xf32>
    %add3A_99 = arith.addf %add3A_93, %mul3A_98 : vector<1264x64xf32>
    %broadcast_in_dim3A_100 = arith.constant 0.000000e+00 : f32
    %broadcast_in_dim3A_101 = vector.broadcast %broadcast_in_dim3A_100 : f32 to vector<1264x64xf32>
    %concatenate3A_102 = tpu.concatenate %add3A_99, %broadcast_in_dim3A_101 in 1 : vector<1264x64xf32>, vector<1264x64xf32> -> vector<1264x128xf32>
    %swap3A_103 = arith.constant 1 : index
    %swap3A_104 = arith.constant 0 : index
    %swap3A_105 = arith.constant 0 : index
    %swap3A_106 = vector.load %arg6[%swap3A_103, %swap3A_104, %swap3A_105] : memref<8x1264x128xf32, #tpu.memory_space<vmem>>, vector<1x1264x128xf32>
    %swap3A_107 = vector.shape_cast %swap3A_106 : vector<1x1264x128xf32> to vector<1264x128xf32>
    %swap3A_108 = vector.shape_cast %concatenate3A_102 : vector<1264x128xf32> to vector<1x1264x128xf32>
    tpu.vector_store %arg6[%swap3A_103, %swap3A_104, %swap3A_105], %swap3A_108 {strides = array<i32>} : memref<8x1264x128xf32, #tpu.memory_space<vmem>>, vector<1x1264x128xf32>,
    %get3A_109 = arith.constant 2 : index
    %get3A_110 = arith.constant 0 : index
    %get3A_111 = memref.load %arg4[%get3A_109, %get3A_110] : memref<8x4xf32, #tpu.memory_space<smem>>
    %mul3A_112 = vector.broadcast %get3A_111 : f32 to vector<1264x64xf32>
    %mul3A_113 = arith.mulf %dot_general3A_26, %mul3A_112 : vector<1264x64xf32>
    %get3A_114 = arith.constant 2 : index
    %get3A_115 = arith.constant 1 : index
    %get3A_116 = memref.load %arg4[%get3A_114, %get3A_115] : memref<8x4xf32, #tpu.memory_space<smem>>
    %mul3A_117 = vector.broadcast %get3A_116 : f32 to vector<1264x64xf32>
    %mul3A_118 = arith.mulf %dot_general3A_33, %mul3A_117 : vector<1264x64xf32>
    %add3A_119 = arith.addf %mul3A_113, %mul3A_118 : vector<1264x64xf32>
    %get3A_120 = arith.constant 2 : index
    %get3A_121 = arith.constant 2 : index
    %get3A_122 = memref.load %arg4[%get3A_120, %get3A_121] : memref<8x4xf32, #tpu.memory_space<smem>>
    %mul3A_123 = vector.broadcast %get3A_122 : f32 to vector<1264x64xf32>
    %mul3A_124 = arith.mulf %dot_general3A_40, %mul3A_123 : vector<1264x64xf32>
    %add3A_125 = arith.addf %add3A_119, %mul3A_124 : vector<1264x64xf32>
    %get3A_126 = arith.constant 2 : index
    %get3A_127 = arith.constant 3 : index
    %get3A_128 = memref.load %arg4[%get3A_126, %get3A_127] : memref<8x4xf32, #tpu.memory_space<smem>>
    %mul3A_129 = vector.broadcast %get3A_128 : f32 to vector<1264x64xf32>
    %mul3A_130 = arith.mulf %dot_general3A_47, %mul3A_129 : vector<1264x64xf32>
    %add3A_131 = arith.addf %add3A_125, %mul3A_130 : vector<1264x64xf32>
    %broadcast_in_dim3A_132 = arith.constant 0.000000e+00 : f32
    %broadcast_in_dim3A_133 = vector.broadcast %broadcast_in_dim3A_132 : f32 to vector<1264x64xf32>
    %concatenate3A_134 = tpu.concatenate %add3A_131, %broadcast_in_dim3A_133 in 1 : vector<1264x64xf32>, vector<1264x64xf32> -> vector<1264x128xf32>
    %swap3A_135 = arith.constant 2 : index
    %swap3A_136 = arith.constant 0 : index
    %swap3A_137 = arith.constant 0 : index
    %swap3A_138 = vector.load %arg6[%swap3A_135, %swap3A_136, %swap3A_137] : memref<8x1264x128xf32, #tpu.memory_space<vmem>>, vector<1x1264x128xf32>
    %swap3A_139 = vector.shape_cast %swap3A_138 : vector<1x1264x128xf32> to vector<1264x128xf32>
    %swap3A_140 = vector.shape_cast %concatenate3A_134 : vector<1264x128xf32> to vector<1x1264x128xf32>
    tpu.vector_store %arg6[%swap3A_135, %swap3A_136, %swap3A_137], %swap3A_140 {strides = array<i32>} : memref<8x1264x128xf32, #tpu.memory_space<vmem>>, vector<1x1264x128xf32>,
    %get3A_141 = arith.constant 3 : index
    %get3A_142 = arith.constant 0 : index
    %get3A_143 = memref.load %arg4[%get3A_141, %get3A_142] : memref<8x4xf32, #tpu.memory_space<smem>>
    %mul3A_144 = vector.broadcast %get3A_143 : f32 to vector<1264x64xf32>
    %mul3A_145 = arith.mulf %dot_general3A_26, %mul3A_144 : vector<1264x64xf32>
    %get3A_146 = arith.constant 3 : index
    %get3A_147 = arith.constant 1 : index
    %get3A_148 = memref.load %arg4[%get3A_146, %get3A_147] : memref<8x4xf32, #tpu.memory_space<smem>>
    %mul3A_149 = vector.broadcast %get3A_148 : f32 to vector<1264x64xf32>
    %mul3A_150 = arith.mulf %dot_general3A_33, %mul3A_149 : vector<1264x64xf32>
    %add3A_151 = arith.addf %mul3A_145, %mul3A_150 : vector<1264x64xf32>
    %get3A_152 = arith.constant 3 : index
    %get3A_153 = arith.constant 2 : index
    %get3A_154 = memref.load %arg4[%get3A_152, %get3A_153] : memref<8x4xf32, #tpu.memory_space<smem>>
    %mul3A_155 = vector.broadcast %get3A_154 : f32 to vector<1264x64xf32>
    %mul3A_156 = arith.mulf %dot_general3A_40, %mul3A_155 : vector<1264x64xf32>
    %add3A_157 = arith.addf %add3A_151, %mul3A_156 : vector<1264x64xf32>
    %get3A_158 = arith.constant 3 : index
    %get3A_159 = arith.constant 3 : index
    %get3A_160 = memref.load %arg4[%get3A_158, %get3A_159] : memref<8x4xf32, #tpu.memory_space<smem>>
    %mul3A_161 = vector.broadcast %get3A_160 : f32 to vector<1264x64xf32>
    %mul3A_162 = arith.mulf %dot_general3A_47, %mul3A_161 : vector<1264x64xf32>
    %add3A_163 = arith.addf %add3A_157, %mul3A_162 : vector<1264x64xf32>
    %broadcast_in_dim3A_164 = arith.constant 0.000000e+00 : f32
    %broadcast_in_dim3A_165 = vector.broadcast %broadcast_in_dim3A_164 : f32 to vector<1264x64xf32>
    %concatenate3A_166 = tpu.concatenate %add3A_163, %broadcast_in_dim3A_165 in 1 : vector<1264x64xf32>, vector<1264x64xf32> -> vector<1264x128xf32>
    %swap3A_167 = arith.constant 3 : index
    %swap3A_168 = arith.constant 0 : index
    %swap3A_169 = arith.constant 0 : index
    %swap3A_170 = vector.load %arg6[%swap3A_167, %swap3A_168, %swap3A_169] : memref<8x1264x128xf32, #tpu.memory_space<vmem>>, vector<1x1264x128xf32>
    %swap3A_171 = vector.shape_cast %swap3A_170 : vector<1x1264x128xf32> to vector<1264x128xf32>
    %swap3A_172 = vector.shape_cast %concatenate3A_166 : vector<1264x128xf32> to vector<1x1264x128xf32>
    tpu.vector_store %arg6[%swap3A_167, %swap3A_168, %swap3A_169], %swap3A_172 {strides = array<i32>} : memref<8x1264x128xf32, #tpu.memory_space<vmem>>, vector<1x1264x128xf32>,
    %get3A_173 = arith.constant 4 : index
    %get3A_174 = arith.constant 0 : index
    %get3A_175 = memref.load %arg4[%get3A_173, %get3A_174] : memref<8x4xf32, #tpu.memory_space<smem>>
    %mul3A_176 = vector.broadcast %get3A_175 : f32 to vector<1264x64xf32>
    %mul3A_177 = arith.mulf %dot_general3A_26, %mul3A_176 : vector<1264x64xf32>
    %get3A_178 = arith.constant 4 : index
    %get3A_179 = arith.constant 1 : index
    %get3A_180 = memref.load %arg4[%get3A_178, %get3A_179] : memref<8x4xf32, #tpu.memory_space<smem>>
    %mul3A_181 = vector.broadcast %get3A_180 : f32 to vector<1264x64xf32>
    %mul3A_182 = arith.mulf %dot_general3A_33, %mul3A_181 : vector<1264x64xf32>
    %add3A_183 = arith.addf %mul3A_177, %mul3A_182 : vector<1264x64xf32>
    %get3A_184 = arith.constant 4 : index
    %get3A_185 = arith.constant 2 : index
    %get3A_186 = memref.load %arg4[%get3A_184, %get3A_185] : memref<8x4xf32, #tpu.memory_space<smem>>
    %mul3A_187 = vector.broadcast %get3A_186 : f32 to vector<1264x64xf32>
    %mul3A_188 = arith.mulf %dot_general3A_40, %mul3A_187 : vector<1264x64xf32>
    %add3A_189 = arith.addf %add3A_183, %mul3A_188 : vector<1264x64xf32>
    %get3A_190 = arith.constant 4 : index
    %get3A_191 = arith.constant 3 : index
    %get3A_192 = memref.load %arg4[%get3A_190, %get3A_191] : memref<8x4xf32, #tpu.memory_space<smem>>
    %mul3A_193 = vector.broadcast %get3A_192 : f32 to vector<1264x64xf32>
    %mul3A_194 = arith.mulf %dot_general3A_47, %mul3A_193 : vector<1264x64xf32>
    %add3A_195 = arith.addf %add3A_189, %mul3A_194 : vector<1264x64xf32>
    %broadcast_in_dim3A_196 = arith.constant 0.000000e+00 : f32
    %broadcast_in_dim3A_197 = vector.broadcast %broadcast_in_dim3A_196 : f32 to vector<1264x64xf32>
    %concatenate3A_198 = tpu.concatenate %add3A_195, %broadcast_in_dim3A_197 in 1 : vector<1264x64xf32>, vector<1264x64xf32> -> vector<1264x128xf32>
    %swap3A_199 = arith.constant 4 : index
    %swap3A_200 = arith.constant 0 : index
    %swap3A_201 = arith.constant 0 : index
    %swap3A_202 = vector.load %arg6[%swap3A_199, %swap3A_200, %swap3A_201] : memref<8x1264x128xf32, #tpu.memory_space<vmem>>, vector<1x1264x128xf32>
    %swap3A_203 = vector.shape_cast %swap3A_202 : vector<1x1264x128xf32> to vector<1264x128xf32>
    %swap3A_204 = vector.shape_cast %concatenate3A_198 : vector<1264x128xf32> to vector<1x1264x128xf32>
    tpu.vector_store %arg6[%swap3A_199, %swap3A_200, %swap3A_201], %swap3A_204 {strides = array<i32>} : memref<8x1264x128xf32, #tpu.memory_space<vmem>>, vector<1x1264x128xf32>,
    %get3A_205 = arith.constant 5 : index
    %get3A_206 = arith.constant 0 : index
    %get3A_207 = memref.load %arg4[%get3A_205, %get3A_206] : memref<8x4xf32, #tpu.memory_space<smem>>
    %mul3A_208 = vector.broadcast %get3A_207 : f32 to vector<1264x64xf32>
    %mul3A_209 = arith.mulf %dot_general3A_26, %mul3A_208 : vector<1264x64xf32>
    %get3A_210 = arith.constant 5 : index
    %get3A_211 = arith.constant 1 : index
    %get3A_212 = memref.load %arg4[%get3A_210, %get3A_211] : memref<8x4xf32, #tpu.memory_space<smem>>
    %mul3A_213 = vector.broadcast %get3A_212 : f32 to vector<1264x64xf32>
    %mul3A_214 = arith.mulf %dot_general3A_33, %mul3A_213 : vector<1264x64xf32>
    %add3A_215 = arith.addf %mul3A_209, %mul3A_214 : vector<1264x64xf32>
    %get3A_216 = arith.constant 5 : index
    %get3A_217 = arith.constant 2 : index
    %get3A_218 = memref.load %arg4[%get3A_216, %get3A_217] : memref<8x4xf32, #tpu.memory_space<smem>>
    %mul3A_219 = vector.broadcast %get3A_218 : f32 to vector<1264x64xf32>
    %mul3A_220 = arith.mulf %dot_general3A_40, %mul3A_219 : vector<1264x64xf32>
    %add3A_221 = arith.addf %add3A_215, %mul3A_220 : vector<1264x64xf32>
    %get3A_222 = arith.constant 5 : index
    %get3A_223 = arith.constant 3 : index
    %get3A_224 = memref.load %arg4[%get3A_222, %get3A_223] : memref<8x4xf32, #tpu.memory_space<smem>>
    %mul3A_225 = vector.broadcast %get3A_224 : f32 to vector<1264x64xf32>
    %mul3A_226 = arith.mulf %dot_general3A_47, %mul3A_225 : vector<1264x64xf32>
    %add3A_227 = arith.addf %add3A_221, %mul3A_226 : vector<1264x64xf32>
    %broadcast_in_dim3A_228 = arith.constant 0.000000e+00 : f32
    %broadcast_in_dim3A_229 = vector.broadcast %broadcast_in_dim3A_228 : f32 to vector<1264x64xf32>
    %concatenate3A_230 = tpu.concatenate %add3A_227, %broadcast_in_dim3A_229 in 1 : vector<1264x64xf32>, vector<1264x64xf32> -> vector<1264x128xf32>
    %swap3A_231 = arith.constant 5 : index
    %swap3A_232 = arith.constant 0 : index
    %swap3A_233 = arith.constant 0 : index
    %swap3A_234 = vector.load %arg6[%swap3A_231, %swap3A_232, %swap3A_233] : memref<8x1264x128xf32, #tpu.memory_space<vmem>>, vector<1x1264x128xf32>
    %swap3A_235 = vector.shape_cast %swap3A_234 : vector<1x1264x128xf32> to vector<1264x128xf32>
    %swap3A_236 = vector.shape_cast %concatenate3A_230 : vector<1264x128xf32> to vector<1x1264x128xf32>
    tpu.vector_store %arg6[%swap3A_231, %swap3A_232, %swap3A_233], %swap3A_236 {strides = array<i32>} : memref<8x1264x128xf32, #tpu.memory_space<vmem>>, vector<1x1264x128xf32>,
    %get3A_237 = arith.constant 6 : index
    %get3A_238 = arith.constant 0 : index
    %get3A_239 = memref.load %arg4[%get3A_237, %get3A_238] : memref<8x4xf32, #tpu.memory_space<smem>>
    %mul3A_240 = vector.broadcast %get3A_239 : f32 to vector<1264x64xf32>
    %mul3A_241 = arith.mulf %dot_general3A_26, %mul3A_240 : vector<1264x64xf32>
    %get3A_242 = arith.constant 6 : index
    %get3A_243 = arith.constant 1 : index
    %get3A_244 = memref.load %arg4[%get3A_242, %get3A_243] : memref<8x4xf32, #tpu.memory_space<smem>>
    %mul3A_245 = vector.broadcast %get3A_244 : f32 to vector<1264x64xf32>
    %mul3A_246 = arith.mulf %dot_general3A_33, %mul3A_245 : vector<1264x64xf32>
    %add3A_247 = arith.addf %mul3A_241, %mul3A_246 : vector<1264x64xf32>
    %get3A_248 = arith.constant 6 : index
    %get3A_249 = arith.constant 2 : index
    %get3A_250 = memref.load %arg4[%get3A_248, %get3A_249] : memref<8x4xf32, #tpu.memory_space<smem>>
    %mul3A_251 = vector.broadcast %get3A_250 : f32 to vector<1264x64xf32>
    %mul3A_252 = arith.mulf %dot_general3A_40, %mul3A_251 : vector<1264x64xf32>
    %add3A_253 = arith.addf %add3A_247, %mul3A_252 : vector<1264x64xf32>
    %get3A_254 = arith.constant 6 : index
    %get3A_255 = arith.constant 3 : index
    %get3A_256 = memref.load %arg4[%get3A_254, %get3A_255] : memref<8x4xf32, #tpu.memory_space<smem>>
    %mul3A_257 = vector.broadcast %get3A_256 : f32 to vector<1264x64xf32>
    %mul3A_258 = arith.mulf %dot_general3A_47, %mul3A_257 : vector<1264x64xf32>
    %add3A_259 = arith.addf %add3A_253, %mul3A_258 : vector<1264x64xf32>
    %broadcast_in_dim3A_260 = arith.constant 0.000000e+00 : f32
    %broadcast_in_dim3A_261 = vector.broadcast %broadcast_in_dim3A_260 : f32 to vector<1264x64xf32>
    %concatenate3A_262 = tpu.concatenate %add3A_259, %broadcast_in_dim3A_261 in 1 : vector<1264x64xf32>, vector<1264x64xf32> -> vector<1264x128xf32>
    %swap3A_263 = arith.constant 6 : index
    %swap3A_264 = arith.constant 0 : index
    %swap3A_265 = arith.constant 0 : index
    %swap3A_266 = vector.load %arg6[%swap3A_263, %swap3A_264, %swap3A_265] : memref<8x1264x128xf32, #tpu.memory_space<vmem>>, vector<1x1264x128xf32>
    %swap3A_267 = vector.shape_cast %swap3A_266 : vector<1x1264x128xf32> to vector<1264x128xf32>
    %swap3A_268 = vector.shape_cast %concatenate3A_262 : vector<1264x128xf32> to vector<1x1264x128xf32>
    tpu.vector_store %arg6[%swap3A_263, %swap3A_264, %swap3A_265], %swap3A_268 {strides = array<i32>} : memref<8x1264x128xf32, #tpu.memory_space<vmem>>, vector<1x1264x128xf32>,
    %get3A_269 = arith.constant 7 : index
    %get3A_270 = arith.constant 0 : index
    %get3A_271 = memref.load %arg4[%get3A_269, %get3A_270] : memref<8x4xf32, #tpu.memory_space<smem>>
    %mul3A_272 = vector.broadcast %get3A_271 : f32 to vector<1264x64xf32>
    %mul3A_273 = arith.mulf %dot_general3A_26, %mul3A_272 : vector<1264x64xf32>
    %get3A_274 = arith.constant 7 : index
    %get3A_275 = arith.constant 1 : index
    %get3A_276 = memref.load %arg4[%get3A_274, %get3A_275] : memref<8x4xf32, #tpu.memory_space<smem>>
    %mul3A_277 = vector.broadcast %get3A_276 : f32 to vector<1264x64xf32>
    %mul3A_278 = arith.mulf %dot_general3A_33, %mul3A_277 : vector<1264x64xf32>
    %add3A_279 = arith.addf %mul3A_273, %mul3A_278 : vector<1264x64xf32>
    %get3A_280 = arith.constant 7 : index
    %get3A_281 = arith.constant 2 : index
    %get3A_282 = memref.load %arg4[%get3A_280, %get3A_281] : memref<8x4xf32, #tpu.memory_space<smem>>
    %mul3A_283 = vector.broadcast %get3A_282 : f32 to vector<1264x64xf32>
    %mul3A_284 = arith.mulf %dot_general3A_40, %mul3A_283 : vector<1264x64xf32>
    %add3A_285 = arith.addf %add3A_279, %mul3A_284 : vector<1264x64xf32>
    %get3A_286 = arith.constant 7 : index
    %get3A_287 = arith.constant 3 : index
    %get3A_288 = memref.load %arg4[%get3A_286, %get3A_287] : memref<8x4xf32, #tpu.memory_space<smem>>
    %mul3A_289 = vector.broadcast %get3A_288 : f32 to vector<1264x64xf32>
    %mul3A_290 = arith.mulf %dot_general3A_47, %mul3A_289 : vector<1264x64xf32>
    %add3A_291 = arith.addf %add3A_285, %mul3A_290 : vector<1264x64xf32>
    %broadcast_in_dim3A_292 = arith.constant 0.000000e+00 : f32
    %broadcast_in_dim3A_293 = vector.broadcast %broadcast_in_dim3A_292 : f32 to vector<1264x64xf32>
    %concatenate3A_294 = tpu.concatenate %add3A_291, %broadcast_in_dim3A_293 in 1 : vector<1264x64xf32>, vector<1264x64xf32> -> vector<1264x128xf32>
    %swap3A_295 = arith.constant 7 : index
    %swap3A_296 = arith.constant 0 : index
    %swap3A_297 = arith.constant 0 : index
    %swap3A_298 = vector.load %arg6[%swap3A_295, %swap3A_296, %swap3A_297] : memref<8x1264x128xf32, #tpu.memory_space<vmem>>, vector<1x1264x128xf32>
    %swap3A_299 = vector.shape_cast %swap3A_298 : vector<1x1264x128xf32> to vector<1264x128xf32>
    %swap3A_300 = vector.shape_cast %concatenate3A_294 : vector<1264x128xf32> to vector<1x1264x128xf32>
    tpu.vector_store %arg6[%swap3A_295, %swap3A_296, %swap3A_297], %swap3A_300 {strides = array<i32>} : memref<8x1264x128xf32, #tpu.memory_space<vmem>>, vector<1x1264x128xf32>,
    %get3A_301 = arith.constant 0 : index
    %get3A_302 = arith.constant 0 : index
    %get3A_303 = vector.load %arg5[%get3A_301, %get3A_302] : memref<256x64xf32, #tpu.memory_space<vmem>>, vector<256x64xf32>
    %dot_general3A_304 = arith.constant dense<0.000000e+00> : vector<1264x64xf32>
    %dot_general3A_305 = tpu.matmul %concatenate3A, %get3A_303, %dot_general3A_304 {dimension_numbers = #tpu.dot_dimension_numbers<[1], [0], [0], [1], [0, 0, 1, 1], [], []>, transpose_lhs_hint = false} : vector<1264x256xf32>, vector<256x64xf32>, vector<1264x64xf32> -> vector<1264x64xf32>
    %swap3A_306 = arith.constant 0 : index
    %swap3A_307 = arith.constant 0 : index
    %swap3A_308 = vector.load %arg7[%swap3A_306, %swap3A_307] : memref<1264x64xf32, #tpu.memory_space<vmem>>, vector<1264x64xf32>
    tpu.vector_store %arg7[%swap3A_306, %swap3A_307], %dot_general3A_305 {strides = array<i32>} : memref<1264x64xf32, #tpu.memory_space<vmem>>, vector<1264x64xf32>,
    return
  }
  func.func @transform_0(%arg0: i32) -> (i32, i32, i32) {
    %c0_i32 = arith.constant 0 : i32
    %c0_i32_0 = arith.constant 0 : i32
    %c0_i32_1 = arith.constant 0 : i32
    return %c0_i32, %arg0, %c0_i32_0 : i32, i32, i32
  }
  func.func @transform_1(%arg0: i32) -> (i32, i32) {
    %c0_i32 = arith.constant 0 : i32
    %c0_i32_0 = arith.constant 0 : i32
    return %arg0, %c0_i32 : i32, i32
  }
  func.func @transform_2(%arg0: i32) -> (i32, i32, i32) {
    %c0_i32 = arith.constant 0 : i32
    %c0_i32_0 = arith.constant 0 : i32
    %c0_i32_1 = arith.constant 0 : i32
    %c0_i32_2 = arith.constant 0 : i32
    return %c0_i32, %c0_i32_0, %c0_i32_1 : i32, i32, i32
  }
  func.func @transform_3(%arg0: i32) -> (i32, i32) {
    %c0_i32 = arith.constant 0 : i32
    %c0_i32_0 = arith.constant 0 : i32
    %c0_i32_1 = arith.constant 0 : i32
    return %c0_i32, %c0_i32_0 : i32, i32
  }
  func.func @transform_4(%arg0: i32) -> (i32, i32) {
    %c0_i32 = arith.constant 0 : i32
    %c0_i32_0 = arith.constant 0 : i32
    %c0_i32_1 = arith.constant 0 : i32
    return %c0_i32, %c0_i32_0 : i32, i32
  }
  func.func @transform_5(%arg0: i32) -> (i32, i32, i32) {
    %c0_i32 = arith.constant 0 : i32
    %c0_i32_0 = arith.constant 0 : i32
    %c0_i32_1 = arith.constant 0 : i32
    return %c0_i32, %arg0, %c0_i32_0 : i32, i32, i32
  }
  func.func @transform_6(%arg0: i32) -> (i32, i32) {
    %c0_i32 = arith.constant 0 : i32
    %c0_i32_0 = arith.constant 0 : i32
    return %arg0, %c0_i32 : i32, i32
  }
}

module attributes {stable_mosaic.version = 14 : i64} {
  func.func @_final_body(%arg0: i32, %arg1: memref<1264x128xf32, #tpu.memory_space<vmem>>, %arg2: memref<1264x128xf32, #tpu.memory_space<vmem>>, %arg3: memref<1264x64xf32, #tpu.memory_space<vmem>>, %arg4: memref<1264x64xf32, #tpu.memory_space<vmem>>) attributes {dimension_semantics = [#tpu.dimension_semantics<arbitrary>], iteration_bounds = array<i64: 8>, scalar_prefetch = 0 : i64, scratch_operands = 0 : i64, tpu.core_type = #tpu.core_type<tc>, window_params = [{transform_indices = @transform_0, window_bounds = array<i64: 1264, 128>}, {transform_indices = @transform_1, window_bounds = array<i64: 1264, 128>}, {transform_indices = @transform_2, window_bounds = array<i64: 1264, 64>}, {transform_indices = @transform_3, window_bounds = array<i64: 1264, 64>}]} {
    %get3A = arith.constant 0 : index
    %get3A_0 = arith.constant 0 : index
    %get3A_1 = vector.load %arg1[%get3A, %get3A_0] : memref<1264x128xf32, #tpu.memory_space<vmem>>, vector<1264x128xf32>
    %slice3A = vector.extract_strided_slice %get3A_1 {offsets = [0, 0], sizes = [1264, 64], strides = [1, 1]} : vector<1264x128xf32> to vector<1264x64xf32>
    %get3A_2 = arith.constant 0 : index
    %get3A_3 = arith.constant 0 : index
    %get3A_4 = vector.load %arg2[%get3A_2, %get3A_3] : memref<1264x128xf32, #tpu.memory_space<vmem>>, vector<1264x128xf32>
    %slice3A_5 = vector.extract_strided_slice %get3A_4 {offsets = [0, 0], sizes = [1264, 64], strides = [1, 1]} : vector<1264x128xf32> to vector<1264x64xf32>
    %add3A = arith.addf %slice3A, %slice3A_5 : vector<1264x64xf32>
    %get3A_6 = arith.constant 0 : index
    %get3A_7 = arith.constant 0 : index
    %get3A_8 = vector.load %arg3[%get3A_6, %get3A_7] : memref<1264x64xf32, #tpu.memory_space<vmem>>, vector<1264x64xf32>
    %add3A_9 = arith.addf %add3A, %get3A_8 : vector<1264x64xf32>
    %swap3A = arith.constant 0 : index
    %swap3A_10 = arith.constant 0 : index
    %swap3A_11 = vector.load %arg4[%swap3A, %swap3A_10] : memref<1264x64xf32, #tpu.memory_space<vmem>>, vector<1264x64xf32>
    tpu.vector_store %arg4[%swap3A, %swap3A_10], %add3A_9 {strides = array<i32>} : memref<1264x64xf32, #tpu.memory_space<vmem>>, vector<1264x64xf32>,
    return
  }
  func.func @transform_0(%arg0: i32) -> (i32, i32) {
    %c0_i32 = arith.constant 0 : i32
    %c0_i32_0 = arith.constant 0 : i32
    return %arg0, %c0_i32 : i32, i32
  }
  func.func @transform_1(%arg0: i32) -> (i32, i32) {
    %c0_i32 = arith.constant 0 : i32
    %c0_i32_0 = arith.constant 0 : i32
    return %arg0, %c0_i32 : i32, i32
  }
  func.func @transform_2(%arg0: i32) -> (i32, i32) {
    %c0_i32 = arith.constant 0 : i32
    %c0_i32_0 = arith.constant 0 : i32
    return %arg0, %c0_i32 : i32, i32
  }
  func.func @transform_3(%arg0: i32) -> (i32, i32) {
    %c0_i32 = arith.constant 0 : i32
    %c0_i32_0 = arith.constant 0 : i32
    return %arg0, %c0_i32 : i32, i32
  }
}

</mosaic_0001>

<sc_bundles>
// kernel: kernel.10.cloned.1.call-start
scs
__scs_entry_jumppad:
0x0: {  	(pc) =	sbr.rel $0x88, $3  }
0x1: {  	(tag) =	ssettag $0x0;
	lr =	simm.s32 $0x1  }
0x2: {  	[smem:$0x3F96] =	sst lr;
	_ =	strace $0xD0000000  }
0x3: {  	_ = 	snop  }
0x4: {  	_ = 	snop  }
0x5: {  	_ = 	snop  }
0x6: {  	_ = 	snop  }
0x7: {  	_ = 	snop  }
__scs_overlays_trampoline_lowered:
0x8: {  	[smem:$0x3FA5] =	sst s0  }
0x9: {  	[smem:$0x3FA6] =	sst s1  }
0xa: {  	[smem:$0x3FA7] =	sst s2  }
0xb: {  	[smem:$0x3FA8] =	sst s3  }
0xc: {  	[smem:$0x3FA9] =	sst s4  }
0xd: {  	[smem:$0x3FAA] =	sst s5  }
0xe: {  	[smem:$0x3FAB] =	sst s6  }
0xf: {  	[smem:$0x3FAC] =	sst s7  }
0x10: {  	[smem:$0x3FAD] =	sst s8  }
0x11: {  	[smem:$0x3FAE] =	sst s9;
	s0 =	simm.s32 @!p0 $0x0  }
0x12: {  	s1 =	sld [smem:$0x3F94];
	s0 =	simm.s32 @p0 $0x1  }
0x13: {  	[smem:$0x3FAF] =	sst s0;
	s0 =	simm.s32 @!p1 $0x0  }
0x14: {  	s2 =	sld [smem:$0x3F93];
	s0 =	simm.s32 @p1 $0x1  }
0x15: {  	[smem:$0x3FB0] =	sst s0;
	s0 =	simm.s32 @!p2 $0x0  }
0x16: {  	s3 =	sld [smem:$0x3FDB];
	s0 =	simm.s32 @p2 $0x1  }
0x17: {  	s4 =	simm.s32 $0x1BF5;
	[smem:$0x3FB2] =	sst s0  }
0x18: {  	s0 =	sld [smem:$0x3F95];
	_ =	swait.ge [sflag:s4], $0x0  }
0x19: {  	s7 =	sld [smem:$0x3F96]  }
0x1a: {  	s8 =	sadd.s32 $0xFFFFE003, lr  }
0x1b: {  	s9 =	sadd.s32 $0xFFFFFEF7, lr;
	s5 =	simm.s32 $0xFFFFFFFF;
	p2 =	slt.u32 s8, $0xFFFFF086  }
0x1c: {  	p1 =	slt.u32 s9, $0xF7A;
	s5 =	simm.s32 @!p2 $0x0  }
0x1d: {  	s5 =	simm.s32 @p1 $0x1;
	p0 =	seq.s32 s7, s2  }
0x1e: {  	s7 =	smul.u32 @!p0 $0xF7A, s2;
	p2 =	seq.s32 @!p0 s5, $0x0  }
0x1f: {  	s9 =	smul.u32 $0xF7A, s1;
	s8 =	simm.s32 @!p0 $0x1BF5;
	p2 =	por !p2, p0  }
0x20: {  	[sflag:s8] =	ssyncset.s32 @!p0 $0xFFFFF086;
	s6 =	sadd.s32 @!p0 s3, s7;
	s7 =	simm.s32 @!p0 $0x108  }
0x21: {  	s3 =	sadd.s32 s3, s9;
	s6 =	sadd.s32 @!p0 $0x88, s6;
	s7 =	simm.s32 @p2 $0x1082  }
0x22: {  	[simem:s7], [sflag:s8] =	dma.local @!p0 [hbm:s6], $0xF7A  }
0x23: {  	s9 =	sor.u32 $0xD0000000, s2;
	s6 =	simm.s32 $0x108;
	_ =	swait.ge @!p0 [sflag:s8], $0x0  }
0x24: {  	s3 =	sadd.s32 $0x88, s3;
	s6 =	simm.s32 @!p1 $0x1082;
	[sflag:s4] =	ssyncset.s32 $0xFFFFF086  }
0x25: {  	[simem:s6], [sflag:s4] =	dma.local [hbm:s3], $0xF7A  }
0x26: {  	[smem:$0x3F96] =	sst s1;
	(tag) =	ssettag s2;
	_ =	strace s9  }
0x27: {  	s1 =	sld [smem:$0x3FA6]  }
0x28: {  	s2 =	sld [smem:$0x3FA7]  }
0x29: {  	s4 =	sld [smem:$0x3FA9]  }
0x2a: {  	p0 =	seq.s32 s5, $0x0;
	s5 =	sld [smem:$0x3FAA]  }
0x2b: {  	s6 =	sld [smem:$0x3FAB]  }
0x2c: {  	s7 =	sld [smem:$0x3FAC]  }
0x2d: {  	s3 =	simm.s32 $0x108;
	s8 =	sld [smem:$0x3FAD]  }
0x2e: {  	s3 =	simm.s32 @!p0 $0x1082;
	s9 =	sld [smem:$0x3FAE]  }
0x2f: {  	lr =	sadd.s32 s0, s3;
	s0 =	sld [smem:$0x3FA5]  }
0x30: {  	s3 =	sld [smem:$0x3FA8]  }
0x31: {  	[smem:$0x3FB1] =	sst s10  }
0x32: {  	s10 =	sld [smem:$0x3FAF];
	_ =	sdelay $0x3  }
0x33: {  	p0 =	seq.s32 s10, $0x1;
	s10 =	sld [smem:$0x3FB1];
	_ =	sdelay $0x3  }
0x34: {  	[smem:$0x3FB1] =	sst s10  }
0x35: {  	s10 =	sld [smem:$0x3FB0];
	_ =	sdelay $0x3  }
0x36: {  	p1 =	seq.s32 s10, $0x1;
	s10 =	sld [smem:$0x3FB1];
	_ =	sdelay $0x3  }
0x37: {  	[smem:$0x3FB1] =	sst s10  }
0x38: {  	s10 =	sld [smem:$0x3FB2]  }
0x39: {  	_ = 	snop;
	(pc) =	sbr.ind lr, $3  }
0x3a: {  	_ = 	snop  }
0x3b: {  	_ = 	snop  }
0x3c: {  	p2 =	seq.s32 s10, $0x1;
	s10 =	sld [smem:$0x3FB1]  }
0x3d: {  	_ =	shalt  }
0x3e: {  	_ =	shalt  }
0x3f: {  	_ =	shalt  }
0x40: {  	_ =	shalt  }
0x41: {  	_ =	shalt  }
0x42: {  	_ =	shalt  }
0x43: {  	_ =	shalt  }
0x44: {  	_ =	shalt  }
0x45: {  	_ =	shalt  }
0x46: {  	_ =	shalt  }
0x47: {  	_ =	shalt  }
0x48: {  	_ =	shalt  }
0x49: {  	_ =	shalt  }
0x4a: {  	_ =	shalt  }
0x4b: {  	_ =	shalt  }
0x4c: {  	_ =	shalt  }
0x4d: {  	_ =	shalt  }
0x4e: {  	_ =	shalt  }
0x4f: {  	_ =	shalt  }
0x50: {  	_ =	shalt  }
0x51: {  	_ =	shalt  }
0x52: {  	_ =	shalt  }
0x53: {  	_ =	shalt  }
0x54: {  	_ =	shalt  }
0x55: {  	_ =	shalt  }
0x56: {  	_ =	shalt  }
0x57: {  	_ =	shalt  }
0x58: {  	_ =	shalt  }
0x59: {  	_ =	shalt  }
0x5a: {  	_ =	shalt  }
0x5b: {  	_ =	shalt  }
0x5c: {  	_ =	shalt  }
0x5d: {  	_ =	shalt  }
0x5e: {  	_ =	shalt  }
0x5f: {  	_ =	shalt  }
0x60: {  	_ =	shalt  }
0x61: {  	_ =	shalt  }
0x62: {  	_ =	shalt  }
0x63: {  	_ =	shalt  }
0x64: {  	_ =	shalt  }
0x65: {  	_ =	shalt  }
0x66: {  	_ =	shalt  }
0x67: {  	_ =	shalt  }
0x68: {  	_ =	shalt  }
0x69: {  	_ =	shalt  }
0x6a: {  	_ =	shalt  }
0x6b: {  	_ =	shalt  }
0x6c: {  	_ =	shalt  }
0x6d: {  	_ =	shalt  }
0x6e: {  	_ =	shalt  }
0x6f: {  	_ =	shalt  }
0x70: {  	_ =	shalt  }
0x71: {  	_ =	shalt  }
0x72: {  	_ =	shalt  }
0x73: {  	_ =	shalt  }
0x74: {  	_ =	shalt  }
0x75: {  	_ =	shalt  }
0x76: {  	_ =	shalt  }
0x77: {  	_ =	shalt  }
0x78: {  	_ =	shalt  }
0x79: {  	_ =	shalt  }
0x7a: {  	_ =	shalt  }
0x7b: {  	_ =	shalt  }
0x7c: {  	_ =	shalt  }
0x7d: {  	_ =	shalt  }
0x7e: {  	_ =	shalt  }
0x7f: {  	_ =	shalt  }
0x80: {  	_ =	shalt  }
0x81: {  	_ =	shalt  }
0x82: {  	_ =	shalt  }
0x83: {  	_ =	shalt  }
0x84: {  	_ =	shalt  }
0x85: {  	_ =	shalt  }
0x86: {  	_ =	shalt  }
0x87: {  	_ =	shalt  }
.Lfunc_end0:
.L_simem_size_0:
called_computation.1_lowered:
.L_overlay_start_0:
0x88: {  	s2 =	sld [smem:$0x3FD9]  }
0x89: {  	s3 =	sld [smem:$0x3FFE];
	_ =	sdelay $0x1  }
0x8a: {  	s1 =	srdreg.scid  }
0x8b: {  	s0 =	sand.u32 $0x1, s1  }
0x8c: {  	s17 =	sshll.u32 s0, $0xA;
	s2 =	sadd.s32 s3, s2  }
0x8d: {  	s2 =	sadd.s32 s2, s17  }
0x8e: {  	[smem:$0x3FBD] =	sst s2  }
0x8f: {  	_ = 	snop  }
0x90: {  	s2 =	sld [smem:$0x3FD0];
	(tm) =	ssettm $0x1  }
0x91: {  	s18 =	sld [smem:$0x3FFB];
	_ =	sdelay $0x3  }
0x92: {  	_ =	strace s18  }
0x93: {  	s3 =	sld [smem:$0x3FFC];
	_ =	sdelay $0x3  }
0x94: {  	_ =	strace s3  }
0x95: {  	s3 =	sld [smem:$0x3FFD];
	_ =	sdelay $0x3  }
0x96: {  	_ =	strace s3  }
0x97: {  	_ =	strace $0x8FFFFFFF  }
0x98: {  	s19 =	sld [smem:$0x3FDB];
	_ =	sdelay $0x1  }
0x99: {  	s4 =	simm.s32 $_scs_section_size  }
0x9a: {  	s5 =	simm.s32 $_size__tile_overlayer_lowered;
	s6 =	simm.s32 $_tile_overlayer_lowered  }
0x9b: {  	s22 =	simm.s32 $0x1BFF;
	s21 =	sshll.u32 s6, $0x1;
	s3 =	sadd.s32 s4, s19  }
0x9c: {  	s7 =	simm.s32 $0x0;
	s20 =	sshll.u32 s5, $0x1;
	s5 =	sadd.s32 s21, s3  }
0x9d: {  	[timem:s7], [sflag:s22] =	dma.local [hbm:s5], s20  }
0x9e: {  	_ =	swait.ge [sflag:s22], s20  }
0x9f: {  	s4 =	ssub.s32 $0x0, s20;
	[sflag:s22] =	ssyncset.done $0x0  }
0xa0: {  	[sflag:s22] =	ssyncadd.s32 s4;
	_ =	sdelay $0x1  }
0xa1: {  	s23 =	simm.s32 $0x1B8B  }
0xa2: {  	_ =	swait.ge [sflag:s23], $0x1  }
0xa3: {  	[sflag:s23] =	ssyncset.done $0x0  }
0xa4: {  	s25 =	simm.s32 $0x1B8E;
	s24 =	sld [smem:$0x3FFE];
	[sflag:s23] =	ssyncadd.s32 $0xFFFFFFFF  }
0xa5: {  	s26 =	simm.s32 $execute0_lowered;
	[smem:$0x3FD2] =	sst s25  }
0xa6: {  	s5 =	sshll.u32 s26, $0x1;
	_ =	strace $0x80000049;
	[dreg:$0x1] =	wrdreg $0xFFFFFFFF  }
0xa7: {  	s28 =	simm.s32 $_size_execute0_lowered;
	s3 =	sadd.s32 s3, s5;
	[dreg:$0x0] =	wrdreg $0x0  }
0xa8: {  	s5 =	sshll.u32 s28, $0x1;
	[dreg:$0x2] =	wrdreg s3  }
0xa9: {  	[dreg:$0x3] =	wrdreg s5  }
0xaa: {  	[dreg:$0x4] =	wrdreg $0xC0  }
0xab: {  	_ =	task [dreg:s7], $0x5FFFF  }
0xac: {  	[dreg:$0x1] =	wrdreg $0xFFFFFFFF  }
0xad: {  	[dreg:$0x0] =	wrdreg $0x60  }
0xae: {  	[dreg:$0x2] =	wrdreg s24  }
0xaf: {  	[dreg:$0x3] =	wrdreg s2  }
0xb0: {  	[dreg:$0x4] =	wrdreg $0x42000  }
0xb1: {  	[dreg:$0x5] =	wrdreg $0x9  }
0xb2: {  	_ =	task.clear_ibuf [dreg:s7], $0x6FFFF;
	_ =	strace $0x90000049  }
0xb3: {  	s29 =	simm.s32 $0x9;
	_ =	strace $0x8000004B  }
0xb4: {  	_ =	swait.ge [sflag:s29], $0x1  }
0xb5: {  	[sflag:s29] =	ssyncadd.s32 $0xFFFFFFFF  }
0xb6: {  	_ =	strace $0x9000004B  }
0xb7: {  	_ =	sfence  }
0xb8: {  	s30 =	sld [smem:$0x0];
	_ =	sdelay $0x2  }
0xb9: {  	s31 =	sshll.u32 s1, $0xD;
	s1 =	sshrl.u32 s1, $0x2  }
0xba: {  	s3 =	sand.u32 $0x4000, s31;
	s1 =	sadd.s32 s1, s30  }
0xbb: {  	s0 =	sor.u32 s3, s0;
	s1 =	sshll.u32 s1, $0x11  }
0xbc: {  	s0 =	sor.u32 s1, s0  }
0xbd: {  	s0 =	sadd.s32 $0x8F2B, s0  }
0xbe: {  	[sflag:s0] =	ssyncadd.remote.s32 $0x1  }
0xbf: {  	_ =	sfence.sel $0xFFFF  }
0xc0: {  	[dreg:$0x0] =	wrdreg $0xFFFFFFFF;
	(pc) =	sbr.abs _section_cstart, $3  }
0xc1: {  	[dreg:$0x1] =	wrdreg $0xFFFFFFFF  }
0xc2: {  	_ =	task.clear_ibuf [dreg:s7], $0x2FFFF;
	_ =	strace $0x9FFFFFFF  }
0xc3: {  	(tm) =	ssettm $0x7FFFFFFF  }
tec
execute0_lowered:
.L_overlay_start_1:
0x0: {  	(tag) =	ssettag $0x1  }
0x1: {  	s5 =	rddreg [dreg:$0x0]  }
0x2: {  	s11 =	rddreg [dreg:$0x1]  }
0x3: {  	s2 =	rddreg [dreg:$0x2]  }
0x4: {  	s0 =	rddreg [dreg:$0x3]  }
0x5: {  	s1 =	stileid.u32;
	s3 =	simm.s32 $0x0;
	s4 =	srdreg.scid  }
0x6: {  	s16 =	simm.s32 $0x180;
	s17 =	simm.s32 $0x200;
	s12 =	smul.u32 $0x9E0, s1  }
0x7: {  	s18 =	simm.s32 $0x1;
	s19 =	simm.s32 $0x0;
	s6 =	smul.u32 $0x2780, s1  }
0x8: {  	[smem:$0x7FF] =	sst s3;
	s7 =	sand.u32 $0x1, s4;
	s14 =	smul.u32 $0x4F000, s1  }
0x9: {  	s4 =	sadd.s32 $0x15A00, s5;
	s29 =	sshll.u32 s1, $0x6;
	s8 =	smul.u32 $0x27800, s7  }
0xa: {  	_ =	strace $0x8000004A;
	s10 =	ssub.s32 $0x2, s7;
	s30 =	smul.u32 $0x4F0, s7  }
0xb: {  	s9 =	sadd.s32 s12, s5;
	s13 =	sshrl.u32 s10, $0x1;
	s28 =	sshrl.u32 s14, $0x2  }
0xc: {  	s11 =	sadd.s32 s12, s11;
	s14 =	simm.s32 $0x80;
	s8 =	sadd.s32 s6, s8  }
0xd: {  	s6 =	sadd.s32 s6, s5;
	s10 =	ssub.s32 s10, s13;
	s15 =	sadd.s32 s28, s2  }
0xe: {  	s31 =	sadd.s32 s30, s9;
	s11 =	sadd.s32 s30, s11;
	s13 =	simm.s32 $0x2  }
0xf: {  	s8 =	sadd.s32 s8, s5;
	s5 =	sadd.s32 $0x286A00, s6;
	s6 =	sor.u32 $0x1C02, s29  }
0x10: {  	s9 =	sadd.s32 $0xBC00, s31;
	s12 =	sshrl.u32 s15, $0x3;
	s15 =	simm.s32 $0x100  }
0x11: {  	s7 =	sadd.s32 $0x151A00, s8;
	s8 =	smax.u32 s10, $0x1;
	s10 =	sadd.s32 $0x1E00, s31  }
.LBB2_1:
0x12: {  	[spmem:s12], [sflag:s6] =	dma.local [hbm:s5], $0x2780  }
0x13: {  	_ =	swait.ge [sflag:s13], $0x2780  }
0x14: {  	[sflag:s13] =	ssyncset.done $0x0  }
0x15: {  	[sflag:s13] =	ssyncadd.s32 $0xFFFFD880  }
0x16: {  	s20 =	sadd.s32 $0x0, s11;
	[bflag:$0x0] =	sbarrier.arrive $0xFFFF  }
0x17: {  	[tilespmem:s3], [sflag:$0x2] =	stream.linear.gather [hbm4b:s20+s3], $0x80, $0x38;
	[tilespmem:$0x17E00] =	vst v63  }
0x18: {  	_ =	swait.ge [sflag:s13], $0x80  }
0x19: {  	[sflag:s13] =	ssyncset.done $0x0  }
0x1a: {  	s30 =	sadd.s32 $0x0, s10;
	[sflag:s13] =	ssyncadd.s32 $0xFFFFFF80  }
0x1b: {  	[tilespmem:s14], [sflag:$0x2] =	stream.linear.gather [hbm4b:s30+s3], $0x80, $0x38;
	[tilespmem:$0x17E00] =	vst v63  }
0x1c: {  	_ =	swait.ge [sflag:s13], $0x80  }
0x1d: {  	[sflag:s13] =	ssyncset.done $0x0  }
0x1e: {  	s31 =	sadd.s32 $0x0, s9;
	[sflag:s13] =	ssyncadd.s32 $0xFFFFFF80  }
0x1f: {  	[tilespmem:s15], [sflag:$0x2] =	stream.linear.gather [hbm4b:s31+s3], $0x80, $0x38;
	[tilespmem:$0x17E00] =	vst v63  }
0x20: {  	_ =	swait.ge [sflag:s13], $0x80  }
0x21: {  	[sflag:s13] =	ssyncset.done $0x0  }
0x22: {  	[sflag:s13] =	ssyncadd.s32 $0xFFFFFF80  }
0x23: {  	v1 =	vld [tilespmem:$0x30]  }
0x24: {  	v0 =	vld [tilespmem:$0x40]  }
0x25: {  	s20 =	simm.s32 $0x10;
	v2 =	vld [tilespmem:$0x60]  }
.LBB2_2:
0x26: {  	p0 =	sne.s32 s20, $0x4E0;
	v3 =	vld [tilespmem:$0x70];
	s21 =	smov.u32 s20;
	s20 =	sadd.s32 $0x10, s20  }
0x27: {  	v4 =	vld [tilespmem:$0x10]  }
0x28: {  	v5 =	vld [tilespmem:$0x20]  }
0x29: {  	v6 =	vld [tilespmem:$0xE0]  }
0x2a: {  	v7 =	vld [tilespmem:$0xB0]  }
0x2b: {  	v8 =	vld [tilespmem:$0xA0]  }
0x2c: {  	v9 =	vld [tilespmem:$0xF0]  }
0x2d: {  	v10 =	vld [tilespmem:$0x90]  }
0x2e: {  	v11 =	vld [tilespmem:$0xC0];
	v6 =	vmul.u32 $0x2780, v6  }
0x2f: {  	v12 =	vld [tilespmem:$0x80];
	v7 =	vmul.u32 $0x2780, v7  }
0x30: {  	v8 =	vmul.u32 $0x2780, v8;
	v13 =	vld [tilespmem:$0xD0];
	v2 =	vadd.s32 v2, v6  }
0x31: {  	v6 =	vld [tilespmem:$0x0];
	v1 =	vadd.s32 v1, v7;
	[tilespmem:$0x1E0] =	vst v2;
	v2 =	vmul.u32 $0x2780, v9  }
0x32: {  	v7 =	vmul.u32 $0x2780, v10;
	v5 =	vadd.s32 v5, v8;
	[tilespmem:$0x1B0] =	vst v1;
	v1 =	vld [tilespmem:$0x50]  }
0x33: {  	[tilespmem:$0x1A0] =	vst v5;
	v5 =	vmul.u32 $0x2780, v11;
	v2 =	vadd.s32 v3, v2  }
0x34: {  	v3 =	vmul.u32 $0x2780, v12;
	v4 =	vadd.s32 v4, v7;
	[tilespmem:$0x1F0] =	vst v2  }
0x35: {  	[tilespmem:$0x190] =	vst v4;
	v0 =	vadd.s32 v0, v5;
	v2 =	vmul.u32 $0x2780, v13  }
0x36: {  	v3 =	vadd.s32 v6, v3;
	[tilespmem:$0x1C0] =	vst v0  }
0x37: {  	[tilespmem:$0x180] =	vst v3;
	v0 =	vadd.s32 v1, v2  }
0x38: {  	[tilespmem:$0x1D0] =	vst v0  }
0x39: {  	[tilespmem:s17], [sflag:$0x1] =	stream.indirect.gather [hbm4b:s4+s14], $0x80, s16, s14, $0xb8;
	[tilespmem:$0x17E00] =	vst v63  }
0x3a: {  	_ =	swait.ge [sflag:s18], $0x4000  }
0x3b: {  	[sflag:s18] =	ssyncset.done $0x0  }
0x3c: {  	[sflag:s18] =	ssyncadd.s32 $0xFFFFC000  }
0x3d: {  	[spmem:s2] =	stream.indirect.scatter.add.f32 [tilespmem:s17], [sflag:$0x2], $0x80, s15, s14, $0xb8;
	[tilespmem:$0x17E00] =	vst v63  }
0x3e: {  	_ =	swait.ge [sflag:s13], $0x4000  }
0x3f: {  	[sflag:s13] =	ssyncset.done $0x0  }
0x40: {  	s22 =	sadd.s32 s21, s11;
	[sflag:s13] =	ssyncadd.s32 $0xFFFFC000  }
0x41: {  	[tilespmem:s3], [sflag:$0x2] =	stream.linear.gather [hbm4b:s22+s3], $0x80, $0x38;
	[tilespmem:$0x17E00] =	vst v63  }
0x42: {  	_ =	swait.ge [sflag:s13], $0x80  }
0x43: {  	[sflag:s13] =	ssyncset.done $0x0  }
0x44: {  	s22 =	sadd.s32 s21, s10;
	[sflag:s13] =	ssyncadd.s32 $0xFFFFFF80  }
0x45: {  	[tilespmem:s14], [sflag:$0x2] =	stream.linear.gather [hbm4b:s22+s3], $0x80, $0x38;
	[tilespmem:$0x17E00] =	vst v63  }
0x46: {  	_ =	swait.ge [sflag:s13], $0x80  }
0x47: {  	[sflag:s13] =	ssyncset.done $0x0  }
0x48: {  	s21 =	sadd.s32 s21, s9;
	[sflag:s13] =	ssyncadd.s32 $0xFFFFFF80  }
0x49: {  	[tilespmem:s15], [sflag:$0x2] =	stream.linear.gather [hbm4b:s21+s3], $0x80, $0x38;
	[tilespmem:$0x17E00] =	vst v63  }
0x4a: {  	_ =	swait.ge [sflag:s13], $0x80  }
.Ltmp0:
0x4b: {  	[sflag:s13] =	ssyncset.done $0x0;
	(pc) =	sbr.rel @p0 .LBB2_2-.Ltmp0, $4  }
0x4c: {  	[sflag:s13] =	ssyncadd.s32 $0xFFFFFF80  }
0x4d: {  	v1 =	vld [tilespmem:$0x30]  }
0x4e: {  	v0 =	vld [tilespmem:$0x40]  }
0x4f: {  	v2 =	vld [tilespmem:$0x60]  }
0x50: {  	v4 =	vld [tilespmem:$0x10]  }
0x51: {  	v5 =	vld [tilespmem:$0x20]  }
0x52: {  	v6 =	vld [tilespmem:$0xE0]  }
0x53: {  	v7 =	vld [tilespmem:$0xB0]  }
0x54: {  	v8 =	vld [tilespmem:$0xA0]  }
0x55: {  	v9 =	vld [tilespmem:$0xF0]  }
0x56: {  	v10 =	vld [tilespmem:$0x90]  }
0x57: {  	v11 =	vld [tilespmem:$0xC0]  }
0x58: {  	v13 =	vld [tilespmem:$0xD0];
	v6 =	vmul.u32 $0x2780, v6  }
0x59: {  	v12 =	vld [tilespmem:$0x80];
	v7 =	vmul.u32 $0x2780, v7  }
0x5a: {  	v59 =	vld [tilespmem:$0x50];
	v8 =	vmul.u32 $0x2780, v8;
	v2 =	vadd.s32 v2, v6  }
0x5b: {  	v3 =	vld [tilespmem:$0x70];
	v58 =	vmul.u32 $0x2780, v10;
	v1 =	vadd.s32 v1, v7;
	[tilespmem:$0x1E0] =	vst v2  }
0x5c: {  	v56 =	vld [tilespmem:$0x0];
	v60 =	vmul.u32 $0x2780, v11;
	v5 =	vadd.s32 v5, v8;
	[tilespmem:$0x1B0] =	vst v1  }
0x5d: {  	v62 =	vmul.u32 $0x2780, v13;
	v4 =	vadd.s32 v4, v58;
	[tilespmem:$0x1A0] =	vst v5  }
0x5e: {  	v57 =	vmul.u32 $0x2780, v9;
	v0 =	vadd.s32 v0, v60;
	[tilespmem:$0x190] =	vst v4  }
0x5f: {  	v61 =	vmul.u32 $0x2780, v12;
	v63 =	vadd.s32 v59, v62;
	[tilespmem:$0x1C0] =	vst v0  }
0x60: {  	v2 =	vadd.s32 v3, v57;
	[tilespmem:$0x1D0] =	vst v63  }
0x61: {  	v3 =	vadd.s32 v56, v61;
	[tilespmem:$0x1F0] =	vst v2  }
0x62: {  	[tilespmem:$0x180] =	vst v3  }
0x63: {  	[tilespmem:s17], [sflag:$0x1] =	stream.indirect.gather [hbm4b:s4+s14], $0x80, s16, s14, $0xb8;
	[tilespmem:$0x17E00] =	vst v63  }
0x64: {  	_ =	swait.ge [sflag:s18], $0x4000  }
0x65: {  	[sflag:s18] =	ssyncset.done $0x0  }
0x66: {  	[sflag:s18] =	ssyncadd.s32 $0xFFFFC000  }
0x67: {  	[spmem:s2] =	stream.indirect.scatter.add.f32 [tilespmem:s17], [sflag:$0x2], $0x80, s15, s14, $0xb8;
	[tilespmem:$0x17E00] =	vst v63  }
0x68: {  	_ =	swait.ge [sflag:s13], $0x4000  }
0x69: {  	s19 =	sadd.s32 $0x1, s19;
	[sflag:s13] =	ssyncset.done $0x0  }
0x6a: {  	p0 =	sne.s32 s19, s8;
	[sflag:s13] =	ssyncadd.s32 $0xFFFFC000  }
.Ltmp1:
0x6b: {  	[bflag:$0x0] =	sbarrier.arrive $0xFFFF;
	(pc) =	sbr.rel @p0 .LBB2_1-.Ltmp1, $4  }
0x6c: {  	[hbm:s7], [sflag:s6] =	dma.local [spmem:s12], $0x2780  }
0x6d: {  	_ =	swait.ge [sflag:s13], $0x2780  }
0x6e: {  	[sflag:s13] =	ssyncset.done $0x0  }
0x6f: {  	[sflag:s13] =	ssyncadd.s32 $0xFFFFD880  }
0x70: {  	_ =	sfence.sel $0x180000  }
0x71: {  	[bflag:$0x0] =	sbarrier.arrive $0xFFFF  }
0x72: {  	p0 =	sne.s32 s1, $0x0;
	_ =	strace $0x9000004A  }
0x73: {  	s0 =	sadd.s32 @!p0 $0x100000, s0;
	[bflag:$0x2] =	sbarrier.arrive $0xFFFF  }
0x74: {  	[sflag:s0] =	ssyncadd.tile.s32 @!p0 $0x1;
	_ =	shalt  }
.Lfunc_end2:
_tile_overlayer_lowered:
.L_overlay_start_2:
0x75: {  	(tag) =	ssettag $0x2  }
0x76: {  	s0 =	rddreg [dreg:$0x0];
	s2 =	stileid.u32  }
0x77: {  	s1 =	rddreg [dreg:$0x1];
	p0 =	sne.s32 s2, $0x0  }
0x78: {  	s3 =	rddreg [dreg:$0x2];
	[bflag:$0x3] =	sbarrier.arrive $0xFFFF;
	s2 =	simm.s32 @!p0 $0x1C02  }
0x79: {  	[timem:s3], [sflag:s2] =	dma.local @!p0 [hbm:s0], s1  }
0x7a: {  	s0 =	simm.s32 @!p0 $0x2  }
0x7b: {  	_ =	swait.ge @!p0 [sflag:s0], s1  }
0x7c: {  	s1 =	ssub.s32 @!p0 $0x0, s1;
	[sflag:s0] =	ssyncset.done @!p0 $0x0  }
0x7d: {  	[sflag:s0] =	ssyncadd.s32 @!p0 s1  }
0x7e: {  	[bflag:$0x3] =	sbarrier.arrive $0xFFFF  }
0x7f: {  	_ =	shalt  }

// kernel: kernel.7.cloned.1.call-start
scs
__scs_entry_jumppad:
0x0: {  	(pc) =	sbr.rel $0x88, $3  }
0x1: {  	(tag) =	ssettag $0x0;
	lr =	simm.s32 $0x1  }
0x2: {  	[smem:$0x3F96] =	sst lr;
	_ =	strace $0xD0000000  }
0x3: {  	_ = 	snop  }
0x4: {  	_ = 	snop  }
0x5: {  	_ = 	snop  }
0x6: {  	_ = 	snop  }
0x7: {  	_ = 	snop  }
__scs_overlays_trampoline_lowered:
0x8: {  	[smem:$0x3FA5] =	sst s0  }
0x9: {  	[smem:$0x3FA6] =	sst s1  }
0xa: {  	[smem:$0x3FA7] =	sst s2  }
0xb: {  	[smem:$0x3FA8] =	sst s3  }
0xc: {  	[smem:$0x3FA9] =	sst s4  }
0xd: {  	[smem:$0x3FAA] =	sst s5  }
0xe: {  	[smem:$0x3FAB] =	sst s6  }
0xf: {  	[smem:$0x3FAC] =	sst s7  }
0x10: {  	[smem:$0x3FAD] =	sst s8  }
0x11: {  	[smem:$0x3FAE] =	sst s9;
	s0 =	simm.s32 @!p0 $0x0  }
0x12: {  	s1 =	sld [smem:$0x3F94];
	s0 =	simm.s32 @p0 $0x1  }
0x13: {  	[smem:$0x3FAF] =	sst s0;
	s0 =	simm.s32 @!p1 $0x0  }
0x14: {  	s2 =	sld [smem:$0x3F93];
	s0 =	simm.s32 @p1 $0x1  }
0x15: {  	[smem:$0x3FB0] =	sst s0;
	s0 =	simm.s32 @!p2 $0x0  }
0x16: {  	s3 =	sld [smem:$0x3FDB];
	s0 =	simm.s32 @p2 $0x1  }
0x17: {  	s4 =	simm.s32 $0x1BF5;
	[smem:$0x3FB2] =	sst s0  }
0x18: {  	s0 =	sld [smem:$0x3F95];
	_ =	swait.ge [sflag:s4], $0x0  }
0x19: {  	s7 =	sld [smem:$0x3F96]  }
0x1a: {  	s8 =	sadd.s32 $0xFFFFE003, lr  }
0x1b: {  	s9 =	sadd.s32 $0xFFFFFEF7, lr;
	s5 =	simm.s32 $0xFFFFFFFF;
	p2 =	slt.u32 s8, $0xFFFFF086  }
0x1c: {  	p1 =	slt.u32 s9, $0xF7A;
	s5 =	simm.s32 @!p2 $0x0  }
0x1d: {  	s5 =	simm.s32 @p1 $0x1;
	p0 =	seq.s32 s7, s2  }
0x1e: {  	s7 =	smul.u32 @!p0 $0xF7A, s2;
	p2 =	seq.s32 @!p0 s5, $0x0  }
0x1f: {  	s9 =	smul.u32 $0xF7A, s1;
	s8 =	simm.s32 @!p0 $0x1BF5;
	p2 =	por !p2, p0  }
0x20: {  	[sflag:s8] =	ssyncset.s32 @!p0 $0xFFFFF086;
	s6 =	sadd.s32 @!p0 s3, s7;
	s7 =	simm.s32 @!p0 $0x108  }
0x21: {  	s3 =	sadd.s32 s3, s9;
	s6 =	sadd.s32 @!p0 $0x88, s6;
	s7 =	simm.s32 @p2 $0x1082  }
0x22: {  	[simem:s7], [sflag:s8] =	dma.local @!p0 [hbm:s6], $0xF7A  }
0x23: {  	s9 =	sor.u32 $0xD0000000, s2;
	s6 =	simm.s32 $0x108;
	_ =	swait.ge @!p0 [sflag:s8], $0x0  }
0x24: {  	s3 =	sadd.s32 $0x88, s3;
	s6 =	simm.s32 @!p1 $0x1082;
	[sflag:s4] =	ssyncset.s32 $0xFFFFF086  }
0x25: {  	[simem:s6], [sflag:s4] =	dma.local [hbm:s3], $0xF7A  }
0x26: {  	[smem:$0x3F96] =	sst s1;
	(tag) =	ssettag s2;
	_ =	strace s9  }
0x27: {  	s1 =	sld [smem:$0x3FA6]  }
0x28: {  	s2 =	sld [smem:$0x3FA7]  }
0x29: {  	s4 =	sld [smem:$0x3FA9]  }
0x2a: {  	p0 =	seq.s32 s5, $0x0;
	s5 =	sld [smem:$0x3FAA]  }
0x2b: {  	s6 =	sld [smem:$0x3FAB]  }
0x2c: {  	s7 =	sld [smem:$0x3FAC]  }
0x2d: {  	s3 =	simm.s32 $0x108;
	s8 =	sld [smem:$0x3FAD]  }
0x2e: {  	s3 =	simm.s32 @!p0 $0x1082;
	s9 =	sld [smem:$0x3FAE]  }
0x2f: {  	lr =	sadd.s32 s0, s3;
	s0 =	sld [smem:$0x3FA5]  }
0x30: {  	s3 =	sld [smem:$0x3FA8]  }
0x31: {  	[smem:$0x3FB1] =	sst s10  }
0x32: {  	s10 =	sld [smem:$0x3FAF];
	_ =	sdelay $0x3  }
0x33: {  	p0 =	seq.s32 s10, $0x1;
	s10 =	sld [smem:$0x3FB1];
	_ =	sdelay $0x3  }
0x34: {  	[smem:$0x3FB1] =	sst s10  }
0x35: {  	s10 =	sld [smem:$0x3FB0];
	_ =	sdelay $0x3  }
0x36: {  	p1 =	seq.s32 s10, $0x1;
	s10 =	sld [smem:$0x3FB1];
	_ =	sdelay $0x3  }
0x37: {  	[smem:$0x3FB1] =	sst s10  }
0x38: {  	s10 =	sld [smem:$0x3FB2]  }
0x39: {  	_ = 	snop;
	(pc) =	sbr.ind lr, $3  }
0x3a: {  	_ = 	snop  }
0x3b: {  	_ = 	snop  }
0x3c: {  	p2 =	seq.s32 s10, $0x1;
	s10 =	sld [smem:$0x3FB1]  }
0x3d: {  	_ =	shalt  }
0x3e: {  	_ =	shalt  }
0x3f: {  	_ =	shalt  }
0x40: {  	_ =	shalt  }
0x41: {  	_ =	shalt  }
0x42: {  	_ =	shalt  }
0x43: {  	_ =	shalt  }
0x44: {  	_ =	shalt  }
0x45: {  	_ =	shalt  }
0x46: {  	_ =	shalt  }
0x47: {  	_ =	shalt  }
0x48: {  	_ =	shalt  }
0x49: {  	_ =	shalt  }
0x4a: {  	_ =	shalt  }
0x4b: {  	_ =	shalt  }
0x4c: {  	_ =	shalt  }
0x4d: {  	_ =	shalt  }
0x4e: {  	_ =	shalt  }
0x4f: {  	_ =	shalt  }
0x50: {  	_ =	shalt  }
0x51: {  	_ =	shalt  }
0x52: {  	_ =	shalt  }
0x53: {  	_ =	shalt  }
0x54: {  	_ =	shalt  }
0x55: {  	_ =	shalt  }
0x56: {  	_ =	shalt  }
0x57: {  	_ =	shalt  }
0x58: {  	_ =	shalt  }
0x59: {  	_ =	shalt  }
0x5a: {  	_ =	shalt  }
0x5b: {  	_ =	shalt  }
0x5c: {  	_ =	shalt  }
0x5d: {  	_ =	shalt  }
0x5e: {  	_ =	shalt  }
0x5f: {  	_ =	shalt  }
0x60: {  	_ =	shalt  }
0x61: {  	_ =	shalt  }
0x62: {  	_ =	shalt  }
0x63: {  	_ =	shalt  }
0x64: {  	_ =	shalt  }
0x65: {  	_ =	shalt  }
0x66: {  	_ =	shalt  }
0x67: {  	_ =	shalt  }
0x68: {  	_ =	shalt  }
0x69: {  	_ =	shalt  }
0x6a: {  	_ =	shalt  }
0x6b: {  	_ =	shalt  }
0x6c: {  	_ =	shalt  }
0x6d: {  	_ =	shalt  }
0x6e: {  	_ =	shalt  }
0x6f: {  	_ =	shalt  }
0x70: {  	_ =	shalt  }
0x71: {  	_ =	shalt  }
0x72: {  	_ =	shalt  }
0x73: {  	_ =	shalt  }
0x74: {  	_ =	shalt  }
0x75: {  	_ =	shalt  }
0x76: {  	_ =	shalt  }
0x77: {  	_ =	shalt  }
0x78: {  	_ =	shalt  }
0x79: {  	_ =	shalt  }
0x7a: {  	_ =	shalt  }
0x7b: {  	_ =	shalt  }
0x7c: {  	_ =	shalt  }
0x7d: {  	_ =	shalt  }
0x7e: {  	_ =	shalt  }
0x7f: {  	_ =	shalt  }
0x80: {  	_ =	shalt  }
0x81: {  	_ =	shalt  }
0x82: {  	_ =	shalt  }
0x83: {  	_ =	shalt  }
0x84: {  	_ =	shalt  }
0x85: {  	_ =	shalt  }
0x86: {  	_ =	shalt  }
0x87: {  	_ =	shalt  }
.Lfunc_end0:
.L_simem_size_0:
called_computation_lowered:
.L_overlay_start_0:
0x88: {  	s2 =	sld [smem:$0x3FD9]  }
0x89: {  	s3 =	sld [smem:$0x3FFE];
	_ =	sdelay $0x1  }
0x8a: {  	s1 =	srdreg.scid  }
0x8b: {  	s0 =	sand.u32 $0x1, s1  }
0x8c: {  	s17 =	sshll.u32 s0, $0xA;
	s2 =	sadd.s32 s3, s2  }
0x8d: {  	s2 =	sadd.s32 s2, s17  }
0x8e: {  	[smem:$0x3FBD] =	sst s2  }
0x8f: {  	_ = 	snop  }
0x90: {  	s2 =	sld [smem:$0x3FD0];
	(tm) =	ssettm $0x1  }
0x91: {  	s18 =	sld [smem:$0x3FFB];
	_ =	sdelay $0x3  }
0x92: {  	_ =	strace s18  }
0x93: {  	s3 =	sld [smem:$0x3FFC];
	_ =	sdelay $0x3  }
0x94: {  	_ =	strace s3  }
0x95: {  	s3 =	sld [smem:$0x3FFD];
	_ =	sdelay $0x3  }
0x96: {  	_ =	strace s3  }
0x97: {  	_ =	strace $0x8FFFFFFF  }
0x98: {  	s19 =	sld [smem:$0x3FDB];
	_ =	sdelay $0x1  }
0x99: {  	s4 =	simm.s32 $_scs_section_size  }
0x9a: {  	s5 =	simm.s32 $_size__tile_overlayer_lowered;
	s6 =	simm.s32 $_tile_overlayer_lowered  }
0x9b: {  	s22 =	simm.s32 $0x1BFF;
	s21 =	sshll.u32 s6, $0x1;
	s3 =	sadd.s32 s4, s19  }
0x9c: {  	s7 =	simm.s32 $0x0;
	s20 =	sshll.u32 s5, $0x1;
	s5 =	sadd.s32 s21, s3  }
0x9d: {  	[timem:s7], [sflag:s22] =	dma.local [hbm:s5], s20  }
0x9e: {  	_ =	swait.ge [sflag:s22], s20  }
0x9f: {  	s4 =	ssub.s32 $0x0, s20;
	[sflag:s22] =	ssyncset.done $0x0  }
0xa0: {  	[sflag:s22] =	ssyncadd.s32 s4;
	_ =	sdelay $0x1  }
0xa1: {  	s23 =	simm.s32 $0x1B8B  }
0xa2: {  	_ =	swait.ge [sflag:s23], $0x1  }
0xa3: {  	[sflag:s23] =	ssyncset.done $0x0  }
0xa4: {  	s25 =	simm.s32 $0x1B8E;
	s24 =	sld [smem:$0x3FFE];
	[sflag:s23] =	ssyncadd.s32 $0xFFFFFFFF  }
0xa5: {  	s26 =	simm.s32 $execute0_lowered;
	[smem:$0x3FD2] =	sst s25  }
0xa6: {  	s5 =	sshll.u32 s26, $0x1;
	_ =	strace $0x80000046;
	[dreg:$0x1] =	wrdreg $0xFFFFFFFF  }
0xa7: {  	s28 =	simm.s32 $_size_execute0_lowered;
	s3 =	sadd.s32 s3, s5;
	[dreg:$0x0] =	wrdreg $0x0  }
0xa8: {  	s5 =	sshll.u32 s28, $0x1;
	[dreg:$0x2] =	wrdreg s3  }
0xa9: {  	[dreg:$0x3] =	wrdreg s5  }
0xaa: {  	[dreg:$0x4] =	wrdreg $0xC0  }
0xab: {  	_ =	task [dreg:s7], $0x5FFFF  }
0xac: {  	[dreg:$0x1] =	wrdreg $0xFFFFFFFF  }
0xad: {  	[dreg:$0x0] =	wrdreg $0x60  }
0xae: {  	[dreg:$0x2] =	wrdreg s24  }
0xaf: {  	[dreg:$0x3] =	wrdreg s2  }
0xb0: {  	[dreg:$0x4] =	wrdreg $0x42000  }
0xb1: {  	[dreg:$0x5] =	wrdreg $0x9  }
0xb2: {  	_ =	task.clear_ibuf [dreg:s7], $0x6FFFF;
	_ =	strace $0x90000046  }
0xb3: {  	s29 =	simm.s32 $0x9;
	_ =	strace $0x80000048  }
0xb4: {  	_ =	swait.ge [sflag:s29], $0x1  }
0xb5: {  	[sflag:s29] =	ssyncadd.s32 $0xFFFFFFFF  }
0xb6: {  	_ =	strace $0x90000048  }
0xb7: {  	_ =	sfence  }
0xb8: {  	s30 =	sld [smem:$0x0];
	_ =	sdelay $0x2  }
0xb9: {  	s31 =	sshll.u32 s1, $0xD;
	s1 =	sshrl.u32 s1, $0x2  }
0xba: {  	s3 =	sand.u32 $0x4000, s31;
	s1 =	sadd.s32 s1, s30  }
0xbb: {  	s0 =	sor.u32 s3, s0;
	s1 =	sshll.u32 s1, $0x11  }
0xbc: {  	s0 =	sor.u32 s1, s0  }
0xbd: {  	s0 =	sadd.s32 $0x8F2B, s0  }
0xbe: {  	[sflag:s0] =	ssyncadd.remote.s32 $0x1  }
0xbf: {  	_ =	sfence.sel $0xFFFF  }
0xc0: {  	[dreg:$0x0] =	wrdreg $0xFFFFFFFF;
	(pc) =	sbr.abs _section_cstart, $3  }
0xc1: {  	[dreg:$0x1] =	wrdreg $0xFFFFFFFF  }
0xc2: {  	_ =	task.clear_ibuf [dreg:s7], $0x2FFFF;
	_ =	strace $0x9FFFFFFF  }
0xc3: {  	(tm) =	ssettm $0x7FFFFFFF  }
tec
execute0_lowered:
.L_overlay_start_1:
0x0: {  	(tag) =	ssettag $0x1  }
0x1: {  	s5 =	rddreg [dreg:$0x0]  }
0x2: {  	s11 =	rddreg [dreg:$0x1]  }
0x3: {  	s2 =	rddreg [dreg:$0x2]  }
0x4: {  	s0 =	rddreg [dreg:$0x3];
	s1 =	stileid.u32  }
0x5: {  	s3 =	simm.s32 $0x0;
	s4 =	srdreg.scid;
	s16 =	simm.s32 $0x180  }
0x6: {  	s18 =	simm.s32 $0x1;
	s19 =	simm.s32 $0x0;
	s12 =	smul.u32 $0x9E0, s1  }
0x7: {  	[smem:$0x7FF] =	sst s3;
	s6 =	smul.u32 $0x2780, s1;
	s7 =	sand.u32 $0x1, s4  }
0x8: {  	s4 =	sadd.s32 $0x15A00, s5;
	s13 =	smul.u32 $0x4F000, s1;
	s31 =	sshll.u32 s1, $0x6  }
0x9: {  	_ =	strace $0x80000047;
	s8 =	smul.u32 $0x27800, s7;
	s9 =	ssub.s32 $0x2, s7  }
0xa: {  	s17 =	smul.u32 $0x13880, s7;
	s10 =	sadd.s32 s12, s5;
	s14 =	sadd.s32 s6, s5  }
0xb: {  	s29 =	sshrl.u32 s9, $0x1;
	s30 =	sshrl.u32 s13, $0x2;
	s11 =	sadd.s32 s12, s11  }
0xc: {  	s6 =	sadd.s32 s6, s8;
	s8 =	ssub.s32 s9, s29;
	s13 =	sadd.s32 s30, s2  }
0xd: {  	s9 =	sadd.s32 $0xBC00, s10;
	s10 =	sadd.s32 $0x1E00, s10;
	v0 =	vmov s17;
	s17 =	simm.s32 $0x200  }
0xe: {  	s15 =	sadd.s32 s6, s5;
	s5 =	sadd.s32 $0x286A00, s14;
	s6 =	sor.u32 $0x1C02, s31  }
0xf: {  	s8 =	smax.u32 s8, $0x1;
	s12 =	sshrl.u32 s13, $0x3;
	s13 =	simm.s32 $0x2  }
0x10: {  	s14 =	simm.s32 $0x80;
	s7 =	sadd.s32 $0x2AE200, s15;
	s15 =	simm.s32 $0x100  }
.LBB2_1:
0x11: {  	[spmem:s12], [sflag:s6] =	dma.local [hbm:s5], $0x2780  }
0x12: {  	_ =	swait.ge [sflag:s13], $0x2780  }
0x13: {  	[sflag:s13] =	ssyncset.done $0x0  }
0x14: {  	[sflag:s13] =	ssyncadd.s32 $0xFFFFD880  }
0x15: {  	s20 =	sadd.s32 $0x0, s11;
	[bflag:$0x0] =	sbarrier.arrive $0xFFFF  }
0x16: {  	[tilespmem:s3], [sflag:$0x2] =	stream.linear.gather [hbm4b:s20+s3], $0x80, $0x38;
	[tilespmem:$0x17E00] =	vst v63  }
0x17: {  	_ =	swait.ge [sflag:s13], $0x80  }
0x18: {  	[sflag:s13] =	ssyncset.done $0x0  }
0x19: {  	s30 =	sadd.s32 $0x0, s10;
	[sflag:s13] =	ssyncadd.s32 $0xFFFFFF80  }
0x1a: {  	[tilespmem:s14], [sflag:$0x2] =	stream.linear.gather [hbm4b:s30+s3], $0x80, $0x38;
	[tilespmem:$0x17E00] =	vst v63  }
0x1b: {  	_ =	swait.ge [sflag:s13], $0x80  }
0x1c: {  	[sflag:s13] =	ssyncset.done $0x0  }
0x1d: {  	s31 =	sadd.s32 $0x0, s9;
	[sflag:s13] =	ssyncadd.s32 $0xFFFFFF80  }
0x1e: {  	[tilespmem:s15], [sflag:$0x2] =	stream.linear.gather [hbm4b:s31+s3], $0x80, $0x38;
	[tilespmem:$0x17E00] =	vst v63  }
0x1f: {  	_ =	swait.ge [sflag:s13], $0x80  }
0x20: {  	[sflag:s13] =	ssyncset.done $0x0  }
0x21: {  	[sflag:s13] =	ssyncadd.s32 $0xFFFFFF80  }
0x22: {  	v1 =	vld [tilespmem:$0x0]  }
0x23: {  	v2 =	vld [tilespmem:$0x80]  }
0x24: {  	v3 =	vld [tilespmem:$0xA0]  }
0x25: {  	v4 =	vld [tilespmem:$0x70]  }
0x26: {  	v5 =	vld [tilespmem:$0x90]  }
0x27: {  	v6 =	vld [tilespmem:$0x50]  }
0x28: {  	v7 =	vld [tilespmem:$0xF0]  }
0x29: {  	v8 =	vld [tilespmem:$0x20]  }
0x2a: {  	v9 =	vld [tilespmem:$0xE0]  }
0x2b: {  	v14 =	vld [tilespmem:$0x10]  }
0x2c: {  	v10 =	vld [tilespmem:$0x60]  }
0x2d: {  	v11 =	vld [tilespmem:$0xC0]  }
0x2e: {  	v12 =	vld [tilespmem:$0xD0];
	v2 =	vmul.u32 $0x2710, v2  }
0x2f: {  	v13 =	vld [tilespmem:$0x40];
	v1 =	vadd.s32 v0, v1;
	v5 =	vmul.u32 $0x2710, v5  }
0x30: {  	v59 =	vld [tilespmem:$0xB0];
	v3 =	vmul.u32 $0x2710, v3;
	v62 =	vadd.s32 v0, v14;
	v1 =	vadd.s32 v2, v1  }
0x31: {  	v60 =	vld [tilespmem:$0x30];
	v7 =	vmul.u32 $0x2710, v7;
	v2 =	vadd.s32 v0, v8;
	v5 =	vadd.s32 v5, v62;
	[tilespmem:$0x180] =	vst v1  }
0x32: {  	v1 =	vadd.s32 v0, v4;
	v2 =	vadd.s32 v3, v2;
	v3 =	vmul.u32 $0x2710, v9;
	[tilespmem:$0x190] =	vst v5  }
0x33: {  	v61 =	vmul.u32 $0x2710, v11;
	v1 =	vadd.s32 v7, v1;
	[tilespmem:$0x1A0] =	vst v2;
	v2 =	vadd.s32 v0, v10  }
0x34: {  	v2 =	vadd.s32 v3, v2;
	[tilespmem:$0x1F0] =	vst v1;
	v1 =	vadd.s32 v0, v13;
	v3 =	vmul.u32 $0x2710, v12  }
0x35: {  	v63 =	vmul.u32 $0x2710, v59;
	v1 =	vadd.s32 v61, v1;
	[tilespmem:$0x1E0] =	vst v2;
	v2 =	vadd.s32 v0, v6  }
0x36: {  	[tilespmem:$0x1C0] =	vst v1;
	v1 =	vadd.s32 v3, v2;
	v2 =	vadd.s32 v0, v60  }
0x37: {  	v2 =	vadd.s32 v63, v2;
	[tilespmem:$0x1D0] =	vst v1  }
0x38: {  	[tilespmem:$0x1B0] =	vst v2  }
0x39: {  	[tilespmem:s17], [sflag:$0x1] =	stream.indirect.gather [hbm4b:s4+s14], $0x80, s16, s14, $0xb8;
	[tilespmem:$0x17E00] =	vst v63  }
0x3a: {  	_ =	swait.ge [sflag:s18], $0x4000  }
0x3b: {  	[sflag:s18] =	ssyncset.done $0x0  }
0x3c: {  	s21 =	simm.s32 $0x20;
	s20 =	simm.s32 $0x10;
	[sflag:s18] =	ssyncadd.s32 $0xFFFFC000  }
.LBB2_2:
0x3d: {  	[spmem:s2] =	stream.indirect.scatter.add.f32 [tilespmem:s17], [sflag:$0x2], $0x80, s15, s14, $0xb8;
	[tilespmem:$0x17E00] =	vst v63  }
0x3e: {  	s22 =	smov.u32 s21  }
0x3f: {  	p0 =	sne.s32 s21, $0x9D0;
	s21 =	sadd.s32 $0x10, s21;
	_ =	swait.ge [sflag:s13], $0x4000  }
0x40: {  	[sflag:s13] =	ssyncset.done $0x0  }
0x41: {  	s23 =	sadd.s32 s20, s11;
	[sflag:s13] =	ssyncadd.s32 $0xFFFFC000  }
0x42: {  	[tilespmem:s3], [sflag:$0x2] =	stream.linear.gather [hbm4b:s23+s3], $0x80, $0x38;
	[tilespmem:$0x17E00] =	vst v63  }
0x43: {  	_ =	swait.ge [sflag:s13], $0x80  }
0x44: {  	[sflag:s13] =	ssyncset.done $0x0  }
0x45: {  	s23 =	sadd.s32 s20, s10;
	[sflag:s13] =	ssyncadd.s32 $0xFFFFFF80  }
0x46: {  	[tilespmem:s14], [sflag:$0x2] =	stream.linear.gather [hbm4b:s23+s3], $0x80, $0x38;
	[tilespmem:$0x17E00] =	vst v63  }
0x47: {  	_ =	swait.ge [sflag:s13], $0x80  }
0x48: {  	[sflag:s13] =	ssyncset.done $0x0  }
0x49: {  	s23 =	sadd.s32 s20, s9;
	s20 =	smov.u32 s22;
	[sflag:s13] =	ssyncadd.s32 $0xFFFFFF80  }
0x4a: {  	[tilespmem:s15], [sflag:$0x2] =	stream.linear.gather [hbm4b:s23+s3], $0x80, $0x38;
	[tilespmem:$0x17E00] =	vst v63  }
0x4b: {  	_ =	swait.ge [sflag:s13], $0x80  }
0x4c: {  	[sflag:s13] =	ssyncset.done $0x0  }
0x4d: {  	[sflag:s13] =	ssyncadd.s32 $0xFFFFFF80  }
0x4e: {  	v1 =	vld [tilespmem:$0x0]  }
0x4f: {  	v2 =	vld [tilespmem:$0x80]  }
0x50: {  	v3 =	vld [tilespmem:$0xA0]  }
0x51: {  	v4 =	vld [tilespmem:$0x70]  }
0x52: {  	v5 =	vld [tilespmem:$0x90]  }
0x53: {  	v6 =	vld [tilespmem:$0x50]  }
0x54: {  	v7 =	vld [tilespmem:$0xF0]  }
0x55: {  	v8 =	vld [tilespmem:$0x20]  }
0x56: {  	v3 =	vmul.u32 $0x2710, v3;
	v9 =	vld [tilespmem:$0xE0]  }
0x57: {  	v4 =	vadd.s32 v0, v4;
	v5 =	vmul.u32 $0x2710, v5;
	v10 =	vld [tilespmem:$0x60]  }
0x58: {  	v2 =	vmul.u32 $0x2710, v2;
	v11 =	vld [tilespmem:$0xC0];
	v6 =	vadd.s32 v0, v6  }
0x59: {  	v1 =	vadd.s32 v0, v1;
	v12 =	vld [tilespmem:$0xD0];
	v7 =	vmul.u32 $0x2710, v7  }
0x5a: {  	v1 =	vadd.s32 v2, v1;
	v2 =	vadd.s32 v0, v8;
	v8 =	vld [tilespmem:$0x40]  }
0x5b: {  	[tilespmem:$0x180] =	vst v1;
	v1 =	vld [tilespmem:$0x10];
	v2 =	vadd.s32 v3, v2;
	v3 =	vmul.u32 $0x2710, v9;
	v4 =	vadd.s32 v7, v4  }
0x5c: {  	[tilespmem:$0x1A0] =	vst v2;
	v2 =	vld [tilespmem:$0xB0];
	v7 =	vadd.s32 v0, v10  }
0x5d: {  	v9 =	vld [tilespmem:$0x30];
	v3 =	vadd.s32 v3, v7;
	[tilespmem:$0x1F0] =	vst v4  }
0x5e: {  	v4 =	vmul.u32 $0x2710, v11;
	v7 =	vmul.u32 $0x2710, v12  }
0x5f: {  	v8 =	vadd.s32 v0, v8  }
0x60: {  	v1 =	vadd.s32 v0, v1;
	v4 =	vadd.s32 v4, v8;
	v6 =	vadd.s32 v7, v6;
	[tilespmem:$0x1E0] =	vst v3  }
0x61: {  	v1 =	vadd.s32 v5, v1;
	v2 =	vmul.u32 $0x2710, v2;
	[tilespmem:$0x1C0] =	vst v4  }
0x62: {  	[tilespmem:$0x190] =	vst v1;
	v1 =	vadd.s32 v0, v9  }
0x63: {  	v1 =	vadd.s32 v2, v1;
	[tilespmem:$0x1D0] =	vst v6  }
.Ltmp0:
0x64: {  	[tilespmem:$0x1B0] =	vst v1;
	(pc) =	sbr.rel @p0 .LBB2_2-.Ltmp0, $4  }
0x65: {  	[tilespmem:s17], [sflag:$0x1] =	stream.indirect.gather [hbm4b:s4+s14], $0x80, s16, s14, $0xb8;
	[tilespmem:$0x17E00] =	vst v63  }
0x66: {  	_ =	swait.ge [sflag:s18], $0x4000  }
0x67: {  	[sflag:s18] =	ssyncset.done $0x0  }
0x68: {  	[sflag:s18] =	ssyncadd.s32 $0xFFFFC000  }
0x69: {  	[spmem:s2] =	stream.indirect.scatter.add.f32 [tilespmem:s17], [sflag:$0x2], $0x80, s15, s14, $0xb8;
	[tilespmem:$0x17E00] =	vst v63  }
0x6a: {  	_ =	swait.ge [sflag:s13], $0x4000  }
0x6b: {  	[sflag:s13] =	ssyncset.done $0x0  }
0x6c: {  	s21 =	sadd.s32 s20, s11;
	[sflag:s13] =	ssyncadd.s32 $0xFFFFC000  }
0x6d: {  	[tilespmem:s3], [sflag:$0x2] =	stream.linear.gather [hbm4b:s21+s3], $0x80, $0x38;
	[tilespmem:$0x17E00] =	vst v63  }
0x6e: {  	_ =	swait.ge [sflag:s13], $0x80  }
0x6f: {  	[sflag:s13] =	ssyncset.done $0x0  }
0x70: {  	s30 =	sadd.s32 s20, s10;
	[sflag:s13] =	ssyncadd.s32 $0xFFFFFF80  }
0x71: {  	[tilespmem:s14], [sflag:$0x2] =	stream.linear.gather [hbm4b:s30+s3], $0x80, $0x38;
	[tilespmem:$0x17E00] =	vst v63  }
0x72: {  	_ =	swait.ge [sflag:s13], $0x80  }
0x73: {  	[sflag:s13] =	ssyncset.done $0x0  }
0x74: {  	s31 =	sadd.s32 s20, s9;
	[sflag:s13] =	ssyncadd.s32 $0xFFFFFF80  }
0x75: {  	[tilespmem:s15], [sflag:$0x2] =	stream.linear.gather [hbm4b:s31+s3], $0x80, $0x38;
	[tilespmem:$0x17E00] =	vst v63  }
0x76: {  	_ =	swait.ge [sflag:s13], $0x80  }
0x77: {  	[sflag:s13] =	ssyncset.done $0x0  }
0x78: {  	[sflag:s13] =	ssyncadd.s32 $0xFFFFFF80  }
0x79: {  	v1 =	vld [tilespmem:$0x0]  }
0x7a: {  	v2 =	vld [tilespmem:$0x80]  }
0x7b: {  	v3 =	vld [tilespmem:$0xA0]  }
0x7c: {  	v4 =	vld [tilespmem:$0x70]  }
0x7d: {  	v5 =	vld [tilespmem:$0x90]  }
0x7e: {  	v6 =	vld [tilespmem:$0x50]  }
0x7f: {  	v7 =	vld [tilespmem:$0xF0]  }
0x80: {  	v8 =	vld [tilespmem:$0x20]  }
0x81: {  	v9 =	vld [tilespmem:$0xE0]  }
0x82: {  	v14 =	vld [tilespmem:$0x10]  }
0x83: {  	v10 =	vld [tilespmem:$0x60]  }
0x84: {  	v11 =	vld [tilespmem:$0xC0]  }
0x85: {  	v12 =	vld [tilespmem:$0xD0];
	v2 =	vmul.u32 $0x2710, v2  }
0x86: {  	v13 =	vld [tilespmem:$0x40];
	v1 =	vadd.s32 v0, v1;
	v5 =	vmul.u32 $0x2710, v5  }
0x87: {  	v59 =	vld [tilespmem:$0xB0];
	v3 =	vmul.u32 $0x2710, v3;
	v62 =	vadd.s32 v0, v14;
	v1 =	vadd.s32 v2, v1  }
0x88: {  	v60 =	vld [tilespmem:$0x30];
	v7 =	vmul.u32 $0x2710, v7;
	v2 =	vadd.s32 v0, v8;
	v5 =	vadd.s32 v5, v62;
	[tilespmem:$0x180] =	vst v1  }
0x89: {  	v1 =	vadd.s32 v0, v4;
	v2 =	vadd.s32 v3, v2;
	v3 =	vmul.u32 $0x2710, v9;
	[tilespmem:$0x190] =	vst v5  }
0x8a: {  	v61 =	vmul.u32 $0x2710, v11;
	v1 =	vadd.s32 v7, v1;
	[tilespmem:$0x1A0] =	vst v2;
	v2 =	vadd.s32 v0, v10  }
0x8b: {  	v2 =	vadd.s32 v3, v2;
	[tilespmem:$0x1F0] =	vst v1;
	v1 =	vadd.s32 v0, v13;
	v3 =	vmul.u32 $0x2710, v12  }
0x8c: {  	v63 =	vmul.u32 $0x2710, v59;
	v1 =	vadd.s32 v61, v1;
	[tilespmem:$0x1E0] =	vst v2;
	v2 =	vadd.s32 v0, v6  }
0x8d: {  	[tilespmem:$0x1C0] =	vst v1;
	v1 =	vadd.s32 v3, v2;
	v2 =	vadd.s32 v0, v60  }
0x8e: {  	v2 =	vadd.s32 v63, v2;
	[tilespmem:$0x1D0] =	vst v1  }
0x8f: {  	[tilespmem:$0x1B0] =	vst v2  }
0x90: {  	[tilespmem:s17], [sflag:$0x1] =	stream.indirect.gather [hbm4b:s4+s14], $0x80, s16, s14, $0xb8;
	[tilespmem:$0x17E00] =	vst v63  }
0x91: {  	_ =	swait.ge [sflag:s18], $0x4000  }
0x92: {  	[sflag:s18] =	ssyncset.done $0x0  }
0x93: {  	[sflag:s18] =	ssyncadd.s32 $0xFFFFC000  }
0x94: {  	[spmem:s2] =	stream.indirect.scatter.add.f32 [tilespmem:s17], [sflag:$0x2], $0x80, s15, s14, $0xb8;
	[tilespmem:$0x17E00] =	vst v63  }
0x95: {  	_ =	swait.ge [sflag:s13], $0x4000  }
0x96: {  	s19 =	sadd.s32 $0x1, s19;
	[sflag:s13] =	ssyncset.done $0x0  }
0x97: {  	p0 =	sne.s32 s19, s8;
	[sflag:s13] =	ssyncadd.s32 $0xFFFFC000  }
.Ltmp1:
0x98: {  	[bflag:$0x0] =	sbarrier.arrive $0xFFFF;
	(pc) =	sbr.rel @p0 .LBB2_1-.Ltmp1, $4  }
0x99: {  	[hbm:s7], [sflag:s6] =	dma.local [spmem:s12], $0x2780  }
0x9a: {  	_ =	swait.ge [sflag:s13], $0x2780  }
0x9b: {  	[sflag:s13] =	ssyncset.done $0x0  }
0x9c: {  	[sflag:s13] =	ssyncadd.s32 $0xFFFFD880  }
0x9d: {  	_ =	sfence.sel $0x180000  }
0x9e: {  	[bflag:$0x0] =	sbarrier.arrive $0xFFFF  }
0x9f: {  	p0 =	sne.s32 s1, $0x0;
	_ =	strace $0x90000047  }
0xa0: {  	s0 =	sadd.s32 @!p0 $0x100000, s0;
	[bflag:$0x2] =	sbarrier.arrive $0xFFFF  }
0xa1: {  	[sflag:s0] =	ssyncadd.tile.s32 @!p0 $0x1;
	_ =	shalt  }
.Lfunc_end2:
_tile_overlayer_lowered:
.L_overlay_start_2:
0xa2: {  	(tag) =	ssettag $0x2  }
0xa3: {  	s0 =	rddreg [dreg:$0x0];
	s2 =	stileid.u32  }
0xa4: {  	s1 =	rddreg [dreg:$0x1];
	p0 =	sne.s32 s2, $0x0  }
0xa5: {  	s3 =	rddreg [dreg:$0x2];
	[bflag:$0x3] =	sbarrier.arrive $0xFFFF;
	s2 =	simm.s32 @!p0 $0x1C02  }
0xa6: {  	[timem:s3], [sflag:s2] =	dma.local @!p0 [hbm:s0], s1  }
0xa7: {  	s0 =	simm.s32 @!p0 $0x2  }
0xa8: {  	_ =	swait.ge @!p0 [sflag:s0], s1  }
0xa9: {  	s1 =	ssub.s32 @!p0 $0x0, s1;
	[sflag:s0] =	ssyncset.done @!p0 $0x0  }
0xaa: {  	[sflag:s0] =	ssyncadd.s32 @!p0 s1  }
0xab: {  	[bflag:$0x3] =	sbarrier.arrive $0xFFFF  }
0xac: {  	_ =	shalt  }

</sc_bundles>
